<compile_context>
chip_gen: v7x
topology: tpu7x:2x2x1
jax: 0.10.2.dev20260603
libtpu: 0.0.44.dev20260713+nightly
codegen_flags: <defaults>
</compile_context>

<pallas_src>
import functools
import math

import jax
import jax.numpy as jnp
from jax import lax
from jax.experimental import pallas as pl
from jax.experimental.pallas import tpu as pltpu
from jax.experimental.pallas import tpu_sc as plsc

NUM_BINS = 5000
PAD_BINS = 5120
N_PIX = 16777216
NC, NS, L = 2, 16, 16
NW = NC * NS
PER_W = N_PIX // NW
CHUNK = 8192
N_CHUNKS = PER_W // CHUNK
NBUF = 4


def _sc_hist_body(masks_hbm, out_hbm, buf0, buf1, buf2, buf3, hist, red,
                  sem0, sem1, sem2, sem3):
    c = lax.axis_index("c")
    s = lax.axis_index("s")
    wid = c * NS + s
    base = wid * PER_W

    zeros16 = jnp.zeros((L,), jnp.int32)

    lane_iota = lax.iota(jnp.int32, L)
    ones = jnp.ones((L,), jnp.int32)

    bufs = (buf0, buf1, buf2, buf3)
    sems = (sem0, sem1, sem2, sem3)

    def copy_in(ci, slot):
        return pltpu.make_async_copy(
            masks_hbm.at[pl.ds(base + ci * CHUNK, CHUNK)],
            bufs[slot],
            sems[slot],
        )

    for b in range(NBUF):
        copy_in(b, b).start()

    @plsc.parallel_loop(0, (L * PAD_BINS) // L, unroll=8)
    def _(j):
        hist[pl.ds(j * L, L)] = zeros16

    def inner(slot):
        buf = bufs[slot]

        @plsc.parallel_loop(0, CHUNK // L, unroll=16)
        def _(i):
            lbl = buf[pl.ds(i * L, L)]
            plsc.addupdate_scatter(hist, [lbl * L + lane_iota], ones)

    def outer(g, carry):
        for b in range(NBUF):
            ci = g * NBUF + b
            copy_in(ci, b).wait()
            inner(b)

            @pl.when(ci + NBUF < N_CHUNKS)
            def _():
                copy_in(ci + NBUF, b).start()
        return carry

    lax.fori_loop(0, N_CHUNKS // NBUF, outer, 0)

    diag = [lane_iota * L + ((lane_iota + d) & (L - 1)) for d in range(L)]

    @plsc.parallel_loop(0, PAD_BINS // L, unroll=2)
    def _(j):
        blk = j * (L * L)
        acc = plsc.load_gather(hist, [blk + diag[0]])
        for d in range(1, L):
            acc = acc + plsc.load_gather(hist, [blk + diag[d]])
        red[0, pl.ds(j * L, L)] = acc

    pltpu.sync_copy(red.at[0], out_hbm.at[wid])


@functools.partial(jax.jit, static_argnums=())
def _sc_hist(flat_masks):
    mesh = plsc.VectorSubcoreMesh(
        core_axis_name="c", subcore_axis_name="s", num_cores=NC,
        num_subcores=NS)
    return pl.kernel(
        _sc_hist_body,
        out_type=jax.ShapeDtypeStruct((NW, PAD_BINS), jnp.int32),
        mesh=mesh,
        compiler_params=pltpu.CompilerParams(
            needs_layout_passes=False,
            disable_bounds_checks=True,
            disable_semaphore_checks=True,
            skip_device_barrier=True,
        ),
        scratch_types=[
            pltpu.VMEM((CHUNK,), jnp.int32),
            pltpu.VMEM((CHUNK,), jnp.int32),
            pltpu.VMEM((CHUNK,), jnp.int32),
            pltpu.VMEM((CHUNK,), jnp.int32),
            pltpu.VMEM((L * PAD_BINS,), jnp.int32),
            pltpu.VMEM((1, PAD_BINS), jnp.int32),
            pltpu.SemaphoreType.DMA,
            pltpu.SemaphoreType.DMA,
            pltpu.SemaphoreType.DMA,
            pltpu.SemaphoreType.DMA,
        ],
    )(flat_masks)


def _tc_finish_body(partial_ref, out_ref):
    x = partial_ref[...]
    counts = jnp.sum(x, axis=0, keepdims=True)
    col = lax.broadcasted_iota(jnp.int32, (1, PAD_BINS), 1)
    valid = (col >= 1) & (col < NUM_BINS)
    rank = (NUM_BINS - 1 + 1) // 2

    def body(i, carry):
        lo, hi = carry
        mid = (lo + hi) // 2
        cnt = jnp.sum(jnp.where(valid & (counts <= mid), 1, 0))
        pred = cnt >= rank
        return jnp.where(pred, lo, mid + 1), jnp.where(pred, mid, hi)

    lo, _ = lax.fori_loop(
        0, 25, body, (jnp.int32(0), jnp.int32(N_PIX)))
    med = lo.astype(jnp.float32)
    val = jnp.sqrt(med) / (math.pi ** 0.5 / 2.0)
    out_ref[...] = jnp.broadcast_to(val, (1, 1))


def _tc_finish(partial):
    return pl.pallas_call(
        _tc_finish_body,
        out_shape=jax.ShapeDtypeStruct((1, 1), jnp.float32),
    )(partial)


def kernel(masks):
    flat = masks.reshape(-1)
    partial = _sc_hist(flat)
    out = _tc_finish(partial)
    return out[0, 0]

# --- scband reference (transcript-rebuilt; emitter-appended) ---
"""Pipeline reference for scband-size-model-50216757625033 (READ-ONLY COPY).

The authoritative reference and input builder live on the scoring server;
editing this copy changes nothing except your own understanding.
"""

import jax, jax.numpy as jnp
import numpy as np

NUM_LABELS = 5000  # labels are in [0, NUM_LABELS); 0 is background
N_PIXELS = 16777216

def setup_inputs(seed: int = 0) -> dict:
    key = jax.random.key(seed)
    masks = jax.random.randint(key, (1, N_PIXELS), 0, NUM_LABELS, dtype=jnp.int32)
    return {"masks": masks}

def reference(masks):
    # torch: _, counts = masks.int().unique(dim=1, return_counts=True)
    # masks is [1, N]; unique over dim=1 == unique scalar labels with occurrence counts.
    # With dense labels 0..NUM_LABELS-1 present, bincount reproduces sorted-unique counts.
    labels = masks.astype(jnp.int32).reshape(-1)
    counts = jnp.bincount(labels, length=NUM_LABELS)
    # torch: counts = counts[:, 1:]  -> drop the background (smallest / first) label's count
    counts = counts[1:]
    # torch: md = torch.median(counts.sqrt(), dim=1) -> median over the per-label counts
    md = jnp.median(jnp.sqrt(counts.astype(jnp.float32)))
    # torch: if torch.isnan(md): md = 0
    md = jnp.where(jnp.isnan(md), jnp.float32(0.0), md)
    # torch: md /= torch.pi ** 0.5 / 2   (area -> diameter conversion: d = 2*sqrt(A/pi))
    md = md / (jnp.pi ** 0.5 / 2.0)
    return md

if __name__ == "__main__":
    import jax
    _d = setup_inputs()
    print(jax.jit(kernel)(*tuple(_d.values())))

</pallas_src>

<mosaic_0001>
#map = affine_map<(d0, d1) -> (0)>
#map1 = affine_map<(d0, d1) -> (0, 0)>
module attributes {stable_mosaic.version = 14 : i64} {
  func.func @_sc_hist_body(%arg0: i32, %arg1: i32, %arg2: memref<16777216xi32, #tpu.memory_space<hbm>>, %arg3: memref<32x5120xi32, #tpu.memory_space<hbm>>, %arg4: memref<8192xi32, #tpu.memory_space<vmem>>, %arg5: memref<8192xi32, #tpu.memory_space<vmem>>, %arg6: memref<8192xi32, #tpu.memory_space<vmem>>, %arg7: memref<8192xi32, #tpu.memory_space<vmem>>, %arg8: memref<81920xi32, #tpu.memory_space<vmem>>, %arg9: memref<1x5120xi32, #tpu.memory_space<vmem>>, %arg10: memref<!tpu.dma_semaphore, #tpu.memory_space<semaphore_mem>>, %arg11: memref<!tpu.dma_semaphore, #tpu.memory_space<semaphore_mem>>, %arg12: memref<!tpu.dma_semaphore, #tpu.memory_space<semaphore_mem>>, %arg13: memref<!tpu.dma_semaphore, #tpu.memory_space<semaphore_mem>>) attributes {dimension_semantics = [#tpu.dimension_semantics<core_parallel>, #tpu.dimension_semantics<subcore_parallel>], iteration_bounds = array<i64: 2, 16>, scalar_prefetch = 0 : i64, scratch_operands = 10 : i64, tpu.core_type = #tpu.core_type<sc_vector_subcore>, window_params = [{transform_indices = #map}, {transform_indices = #map1}]} {
    %mul3A = arith.constant 16 : i32
    %mul3A_0 = arith.muli %arg0, %mul3A : i32
    %add3A = arith.addi %mul3A_0, %arg1 : i32
    %mul3A_1 = arith.constant 524288 : i32
    %mul3A_2 = arith.muli %add3A, %mul3A_1 : i32
    %broadcast_in_dim3A = arith.constant 0 : i32
    %broadcast_in_dim3A_3 = vector.broadcast %broadcast_in_dim3A : i32 to vector<16xi32>
    %iota3A = tpu.iota {dimensions = array<i32: 0>} : vector<16xi32>
    %broadcast_in_dim3A_4 = arith.constant 1 : i32
    %broadcast_in_dim3A_5 = vector.broadcast %broadcast_in_dim3A_4 : i32 to vector<16xi32>
    %add3A_6 = arith.constant 0 : i32
    %add3A_7 = arith.addi %mul3A_2, %add3A_6 : i32
    %dma_start3A = tpu.memref_slice %arg2[%add3A_7] : memref<16777216xi32, #tpu.memory_space<hbm>> -> memref<8192xi32, #tpu.memory_space<hbm>>
    %dma_start3A_8 = tpu.memref_slice %arg2[%add3A_7] : memref<16777216xi32, #tpu.memory_space<hbm>> -> memref<8192xi32, #tpu.memory_space<hbm>>
    tpu.enqueue_dma source(%dma_start3A_8 : memref<8192xi32, #tpu.memory_space<hbm>>) target(%arg4 : memref<8192xi32, #tpu.memory_space<vmem>>) target_semaphore(%arg10 : memref<!tpu.dma_semaphore, #tpu.memory_space<semaphore_mem>>)
    %add3A_9 = arith.constant 8192 : i32
    %add3A_10 = arith.addi %mul3A_2, %add3A_9 : i32
    %dma_start3A_11 = tpu.memref_slice %arg2[%add3A_10] : memref<16777216xi32, #tpu.memory_space<hbm>> -> memref<8192xi32, #tpu.memory_space<hbm>>
    %dma_start3A_12 = tpu.memref_slice %arg2[%add3A_10] : memref<16777216xi32, #tpu.memory_space<hbm>> -> memref<8192xi32, #tpu.memory_space<hbm>>
    tpu.enqueue_dma source(%dma_start3A_12 : memref<8192xi32, #tpu.memory_space<hbm>>) target(%arg5 : memref<8192xi32, #tpu.memory_space<vmem>>) target_semaphore(%arg11 : memref<!tpu.dma_semaphore, #tpu.memory_space<semaphore_mem>>)
    %add3A_13 = arith.constant 16384 : i32
    %add3A_14 = arith.addi %mul3A_2, %add3A_13 : i32
    %dma_start3A_15 = tpu.memref_slice %arg2[%add3A_14] : memref<16777216xi32, #tpu.memory_space<hbm>> -> memref<8192xi32, #tpu.memory_space<hbm>>
    %dma_start3A_16 = tpu.memref_slice %arg2[%add3A_14] : memref<16777216xi32, #tpu.memory_space<hbm>> -> memref<8192xi32, #tpu.memory_space<hbm>>
    tpu.enqueue_dma source(%dma_start3A_16 : memref<8192xi32, #tpu.memory_space<hbm>>) target(%arg6 : memref<8192xi32, #tpu.memory_space<vmem>>) target_semaphore(%arg12 : memref<!tpu.dma_semaphore, #tpu.memory_space<semaphore_mem>>)
    %add3A_17 = arith.constant 24576 : i32
    %add3A_18 = arith.addi %mul3A_2, %add3A_17 : i32
    %dma_start3A_19 = tpu.memref_slice %arg2[%add3A_18] : memref<16777216xi32, #tpu.memory_space<hbm>> -> memref<8192xi32, #tpu.memory_space<hbm>>
    %dma_start3A_20 = tpu.memref_slice %arg2[%add3A_18] : memref<16777216xi32, #tpu.memory_space<hbm>> -> memref<8192xi32, #tpu.memory_space<hbm>>
    tpu.enqueue_dma source(%dma_start3A_20 : memref<8192xi32, #tpu.memory_space<hbm>>) target(%arg7 : memref<8192xi32, #tpu.memory_space<vmem>>) target_semaphore(%arg13 : memref<!tpu.dma_semaphore, #tpu.memory_space<semaphore_mem>>)
    %parallel_loop3A = arith.constant 0 : i32
    %parallel_loop3A_21 = arith.constant 5120 : i32
    %parallel_loop3A_22 = arith.constant 1 : i32
    scf.for %parallel_loop3A_190 = %parallel_loop3A to %parallel_loop3A_21 step %parallel_loop3A_22  : i32 {
      %parallel_loop3A_191 = arith.constant 16 : i32
      %parallel_loop3A_192 = arith.muli %parallel_loop3A_190, %parallel_loop3A_191 : i32
      %parallel_loop3A_193 = arith.index_cast %parallel_loop3A_192 : i32 to index
      %parallel_loop3A_194 = tpu.vector_load %arg8[%parallel_loop3A_193] {strides = array<i32>} : memref<81920xi32, #tpu.memory_space<vmem>>, vector<16xi32>,
      tpu.vector_store %arg8[%parallel_loop3A_193], %broadcast_in_dim3A_3 {strides = array<i32>} : memref<81920xi32, #tpu.memory_space<vmem>>, vector<16xi32>,
    } {sc.loop_unroll_factor = 8 : i64, sc.parallel_access}
    %scan3A = arith.constant 0 : i32
    %scan3A_23 = arith.constant 0 : i32
    %scan3A_24 = arith.constant 16 : i32
    %scan3A_25 = arith.addi %scan3A_23, %scan3A_24 : i32
    %scan3A_26 = arith.constant 1 : i32
    scf.for %scan3A_190 = %scan3A_23 to %scan3A_25 step %scan3A_26  : i32 {
      %mul3A_191 = arith.constant 4 : i32
      %mul3A_192 = arith.muli %scan3A_190, %mul3A_191 : i32
      %add3A_193 = arith.constant 0 : i32
      %add3A_194 = arith.addi %mul3A_192, %add3A_193 : i32
      %mul3A_195 = arith.constant 8192 : i32
      %mul3A_196 = arith.muli %add3A_194, %mul3A_195 : i32
      %add3A_197 = arith.addi %mul3A_2, %mul3A_196 : i32
      %dma_wait3A = tpu.memref_slice %arg2[%add3A_197] : memref<16777216xi32, #tpu.memory_space<hbm>> -> memref<8192xi32, #tpu.memory_space<hbm>>
      %dma_wait3A_198 = tpu.memref_slice %arg2[%add3A_197] : memref<16777216xi32, #tpu.memory_space<hbm>> -> memref<8192xi32, #tpu.memory_space<hbm>>
      tpu.wait_dma2 semaphore(%arg10 : memref<!tpu.dma_semaphore, #tpu.memory_space<semaphore_mem>>) src(%dma_wait3A_198 : memref<8192xi32, #tpu.memory_space<hbm>>) dst(%arg4 : memref<8192xi32, #tpu.memory_space<vmem>>)
      %parallel_loop3A_199 = arith.constant 0 : i32
      %parallel_loop3A_200 = arith.constant 512 : i32
      %parallel_loop3A_201 = arith.constant 1 : i32
      scf.for %parallel_loop3A_263 = %parallel_loop3A_199 to %parallel_loop3A_200 step %parallel_loop3A_201  : i32 {
        %parallel_loop3A_264 = arith.constant 16 : i32
        %parallel_loop3A_265 = arith.muli %parallel_loop3A_263, %parallel_loop3A_264 : i32
        %parallel_loop3A_266 = arith.index_cast %parallel_loop3A_265 : i32 to index
        %parallel_loop3A_267 = tpu.vector_load %arg4[%parallel_loop3A_266] {strides = array<i32>} : memref<8192xi32, #tpu.memory_space<vmem>>, vector<16xi32>,
        %parallel_loop3A_268 = arith.constant 16 : i32
        %parallel_loop3A_269 = vector.broadcast %parallel_loop3A_268 : i32 to vector<16xi32>
        %parallel_loop3A_270 = arith.muli %parallel_loop3A_267, %parallel_loop3A_269 : vector<16xi32>
        %parallel_loop3A_271 = arith.addi %parallel_loop3A_270, %iota3A : vector<16xi32>
        tpu.vector_store_idx %arg8[%parallel_loop3A_271], %broadcast_in_dim3A_5 {add = true} : memref<81920xi32, #tpu.memory_space<vmem>>[vector<16xi32>], vector<16xi32>,
      } {sc.loop_unroll_factor = 16 : i64, sc.parallel_access}
      %add3A_202 = arith.constant 4 : i32
      %add3A_203 = arith.addi %add3A_194, %add3A_202 : i32
      %lt3A = arith.constant 64 : i32
      %lt3A_204 = arith.cmpi slt, %add3A_203, %lt3A : i32
      %convert_element_type3A = arith.extui %lt3A_204 : i1 to i32
      %cond3A = arith.constant 0 : i32
      %cond3A_205 = arith.cmpi ne, %convert_element_type3A, %cond3A : i32
      scf.if %cond3A_205 {
        %add3A_263 = arith.constant 4 : i32
        %add3A_264 = arith.addi %add3A_194, %add3A_263 : i32
        %mul3A_265 = arith.constant 8192 : i32
        %mul3A_266 = arith.muli %add3A_264, %mul3A_265 : i32
        %add3A_267 = arith.addi %mul3A_2, %mul3A_266 : i32
        %dma_start3A_268 = tpu.memref_slice %arg2[%add3A_267] : memref<16777216xi32, #tpu.memory_space<hbm>> -> memref<8192xi32, #tpu.memory_space<hbm>>
        %dma_start3A_269 = tpu.memref_slice %arg2[%add3A_267] : memref<16777216xi32, #tpu.memory_space<hbm>> -> memref<8192xi32, #tpu.memory_space<hbm>>
        tpu.enqueue_dma source(%dma_start3A_269 : memref<8192xi32, #tpu.memory_space<hbm>>) target(%arg4 : memref<8192xi32, #tpu.memory_space<vmem>>) target_semaphore(%arg10 : memref<!tpu.dma_semaphore, #tpu.memory_space<semaphore_mem>>)
      } else {
      }
      %mul3A_206 = arith.constant 4 : i32
      %mul3A_207 = arith.muli %scan3A_190, %mul3A_206 : i32
      %add3A_208 = arith.constant 1 : i32
      %add3A_209 = arith.addi %mul3A_207, %add3A_208 : i32
      %mul3A_210 = arith.constant 8192 : i32
      %mul3A_211 = arith.muli %add3A_209, %mul3A_210 : i32
      %add3A_212 = arith.addi %mul3A_2, %mul3A_211 : i32
      %dma_wait3A_213 = tpu.memref_slice %arg2[%add3A_212] : memref<16777216xi32, #tpu.memory_space<hbm>> -> memref<8192xi32, #tpu.memory_space<hbm>>
      %dma_wait3A_214 = tpu.memref_slice %arg2[%add3A_212] : memref<16777216xi32, #tpu.memory_space<hbm>> -> memref<8192xi32, #tpu.memory_space<hbm>>
      tpu.wait_dma2 semaphore(%arg11 : memref<!tpu.dma_semaphore, #tpu.memory_space<semaphore_mem>>) src(%dma_wait3A_214 : memref<8192xi32, #tpu.memory_space<hbm>>) dst(%arg5 : memref<8192xi32, #tpu.memory_space<vmem>>)
      %parallel_loop3A_215 = arith.constant 0 : i32
      %parallel_loop3A_216 = arith.constant 512 : i32
      %parallel_loop3A_217 = arith.constant 1 : i32
      scf.for %parallel_loop3A_263 = %parallel_loop3A_215 to %parallel_loop3A_216 step %parallel_loop3A_217  : i32 {
        %parallel_loop3A_264 = arith.constant 16 : i32
        %parallel_loop3A_265 = arith.muli %parallel_loop3A_263, %parallel_loop3A_264 : i32
        %parallel_loop3A_266 = arith.index_cast %parallel_loop3A_265 : i32 to index
        %parallel_loop3A_267 = tpu.vector_load %arg5[%parallel_loop3A_266] {strides = array<i32>} : memref<8192xi32, #tpu.memory_space<vmem>>, vector<16xi32>,
        %parallel_loop3A_268 = arith.constant 16 : i32
        %parallel_loop3A_269 = vector.broadcast %parallel_loop3A_268 : i32 to vector<16xi32>
        %parallel_loop3A_270 = arith.muli %parallel_loop3A_267, %parallel_loop3A_269 : vector<16xi32>
        %parallel_loop3A_271 = arith.addi %parallel_loop3A_270, %iota3A : vector<16xi32>
        tpu.vector_store_idx %arg8[%parallel_loop3A_271], %broadcast_in_dim3A_5 {add = true} : memref<81920xi32, #tpu.memory_space<vmem>>[vector<16xi32>], vector<16xi32>,
      } {sc.loop_unroll_factor = 16 : i64, sc.parallel_access}
      %add3A_218 = arith.constant 4 : i32
      %add3A_219 = arith.addi %add3A_209, %add3A_218 : i32
      %lt3A_220 = arith.constant 64 : i32
      %lt3A_221 = arith.cmpi slt, %add3A_219, %lt3A_220 : i32
      %convert_element_type3A_222 = arith.extui %lt3A_221 : i1 to i32
      %cond3A_223 = arith.constant 0 : i32
      %cond3A_224 = arith.cmpi ne, %convert_element_type3A_222, %cond3A_223 : i32
      scf.if %cond3A_224 {
        %add3A_263 = arith.constant 4 : i32
        %add3A_264 = arith.addi %add3A_209, %add3A_263 : i32
        %mul3A_265 = arith.constant 8192 : i32
        %mul3A_266 = arith.muli %add3A_264, %mul3A_265 : i32
        %add3A_267 = arith.addi %mul3A_2, %mul3A_266 : i32
        %dma_start3A_268 = tpu.memref_slice %arg2[%add3A_267] : memref<16777216xi32, #tpu.memory_space<hbm>> -> memref<8192xi32, #tpu.memory_space<hbm>>
        %dma_start3A_269 = tpu.memref_slice %arg2[%add3A_267] : memref<16777216xi32, #tpu.memory_space<hbm>> -> memref<8192xi32, #tpu.memory_space<hbm>>
        tpu.enqueue_dma source(%dma_start3A_269 : memref<8192xi32, #tpu.memory_space<hbm>>) target(%arg5 : memref<8192xi32, #tpu.memory_space<vmem>>) target_semaphore(%arg11 : memref<!tpu.dma_semaphore, #tpu.memory_space<semaphore_mem>>)
      } else {
      }
      %mul3A_225 = arith.constant 4 : i32
      %mul3A_226 = arith.muli %scan3A_190, %mul3A_225 : i32
      %add3A_227 = arith.constant 2 : i32
      %add3A_228 = arith.addi %mul3A_226, %add3A_227 : i32
      %mul3A_229 = arith.constant 8192 : i32
      %mul3A_230 = arith.muli %add3A_228, %mul3A_229 : i32
      %add3A_231 = arith.addi %mul3A_2, %mul3A_230 : i32
      %dma_wait3A_232 = tpu.memref_slice %arg2[%add3A_231] : memref<16777216xi32, #tpu.memory_space<hbm>> -> memref<8192xi32, #tpu.memory_space<hbm>>
      %dma_wait3A_233 = tpu.memref_slice %arg2[%add3A_231] : memref<16777216xi32, #tpu.memory_space<hbm>> -> memref<8192xi32, #tpu.memory_space<hbm>>
      tpu.wait_dma2 semaphore(%arg12 : memref<!tpu.dma_semaphore, #tpu.memory_space<semaphore_mem>>) src(%dma_wait3A_233 : memref<8192xi32, #tpu.memory_space<hbm>>) dst(%arg6 : memref<8192xi32, #tpu.memory_space<vmem>>)
      %parallel_loop3A_234 = arith.constant 0 : i32
      %parallel_loop3A_235 = arith.constant 512 : i32
      %parallel_loop3A_236 = arith.constant 1 : i32
      scf.for %parallel_loop3A_263 = %parallel_loop3A_234 to %parallel_loop3A_235 step %parallel_loop3A_236  : i32 {
        %parallel_loop3A_264 = arith.constant 16 : i32
        %parallel_loop3A_265 = arith.muli %parallel_loop3A_263, %parallel_loop3A_264 : i32
        %parallel_loop3A_266 = arith.index_cast %parallel_loop3A_265 : i32 to index
        %parallel_loop3A_267 = tpu.vector_load %arg6[%parallel_loop3A_266] {strides = array<i32>} : memref<8192xi32, #tpu.memory_space<vmem>>, vector<16xi32>,
        %parallel_loop3A_268 = arith.constant 16 : i32
        %parallel_loop3A_269 = vector.broadcast %parallel_loop3A_268 : i32 to vector<16xi32>
        %parallel_loop3A_270 = arith.muli %parallel_loop3A_267, %parallel_loop3A_269 : vector<16xi32>
        %parallel_loop3A_271 = arith.addi %parallel_loop3A_270, %iota3A : vector<16xi32>
        tpu.vector_store_idx %arg8[%parallel_loop3A_271], %broadcast_in_dim3A_5 {add = true} : memref<81920xi32, #tpu.memory_space<vmem>>[vector<16xi32>], vector<16xi32>,
      } {sc.loop_unroll_factor = 16 : i64, sc.parallel_access}
      %add3A_237 = arith.constant 4 : i32
      %add3A_238 = arith.addi %add3A_228, %add3A_237 : i32
      %lt3A_239 = arith.constant 64 : i32
      %lt3A_240 = arith.cmpi slt, %add3A_238, %lt3A_239 : i32
      %convert_element_type3A_241 = arith.extui %lt3A_240 : i1 to i32
      %cond3A_242 = arith.constant 0 : i32
      %cond3A_243 = arith.cmpi ne, %convert_element_type3A_241, %cond3A_242 : i32
      scf.if %cond3A_243 {
        %add3A_263 = arith.constant 4 : i32
        %add3A_264 = arith.addi %add3A_228, %add3A_263 : i32
        %mul3A_265 = arith.constant 8192 : i32
        %mul3A_266 = arith.muli %add3A_264, %mul3A_265 : i32
        %add3A_267 = arith.addi %mul3A_2, %mul3A_266 : i32
        %dma_start3A_268 = tpu.memref_slice %arg2[%add3A_267] : memref<16777216xi32, #tpu.memory_space<hbm>> -> memref<8192xi32, #tpu.memory_space<hbm>>
        %dma_start3A_269 = tpu.memref_slice %arg2[%add3A_267] : memref<16777216xi32, #tpu.memory_space<hbm>> -> memref<8192xi32, #tpu.memory_space<hbm>>
        tpu.enqueue_dma source(%dma_start3A_269 : memref<8192xi32, #tpu.memory_space<hbm>>) target(%arg6 : memref<8192xi32, #tpu.memory_space<vmem>>) target_semaphore(%arg12 : memref<!tpu.dma_semaphore, #tpu.memory_space<semaphore_mem>>)
      } else {
      }
      %mul3A_244 = arith.constant 4 : i32
      %mul3A_245 = arith.muli %scan3A_190, %mul3A_244 : i32
      %add3A_246 = arith.constant 3 : i32
      %add3A_247 = arith.addi %mul3A_245, %add3A_246 : i32
      %mul3A_248 = arith.constant 8192 : i32
      %mul3A_249 = arith.muli %add3A_247, %mul3A_248 : i32
      %add3A_250 = arith.addi %mul3A_2, %mul3A_249 : i32
      %dma_wait3A_251 = tpu.memref_slice %arg2[%add3A_250] : memref<16777216xi32, #tpu.memory_space<hbm>> -> memref<8192xi32, #tpu.memory_space<hbm>>
      %dma_wait3A_252 = tpu.memref_slice %arg2[%add3A_250] : memref<16777216xi32, #tpu.memory_space<hbm>> -> memref<8192xi32, #tpu.memory_space<hbm>>
      tpu.wait_dma2 semaphore(%arg13 : memref<!tpu.dma_semaphore, #tpu.memory_space<semaphore_mem>>) src(%dma_wait3A_252 : memref<8192xi32, #tpu.memory_space<hbm>>) dst(%arg7 : memref<8192xi32, #tpu.memory_space<vmem>>)
      %parallel_loop3A_253 = arith.constant 0 : i32
      %parallel_loop3A_254 = arith.constant 512 : i32
      %parallel_loop3A_255 = arith.constant 1 : i32
      scf.for %parallel_loop3A_263 = %parallel_loop3A_253 to %parallel_loop3A_254 step %parallel_loop3A_255  : i32 {
        %parallel_loop3A_264 = arith.constant 16 : i32
        %parallel_loop3A_265 = arith.muli %parallel_loop3A_263, %parallel_loop3A_264 : i32
        %parallel_loop3A_266 = arith.index_cast %parallel_loop3A_265 : i32 to index
        %parallel_loop3A_267 = tpu.vector_load %arg7[%parallel_loop3A_266] {strides = array<i32>} : memref<8192xi32, #tpu.memory_space<vmem>>, vector<16xi32>,
        %parallel_loop3A_268 = arith.constant 16 : i32
        %parallel_loop3A_269 = vector.broadcast %parallel_loop3A_268 : i32 to vector<16xi32>
        %parallel_loop3A_270 = arith.muli %parallel_loop3A_267, %parallel_loop3A_269 : vector<16xi32>
        %parallel_loop3A_271 = arith.addi %parallel_loop3A_270, %iota3A : vector<16xi32>
        tpu.vector_store_idx %arg8[%parallel_loop3A_271], %broadcast_in_dim3A_5 {add = true} : memref<81920xi32, #tpu.memory_space<vmem>>[vector<16xi32>], vector<16xi32>,
      } {sc.loop_unroll_factor = 16 : i64, sc.parallel_access}
      %add3A_256 = arith.constant 4 : i32
      %add3A_257 = arith.addi %add3A_247, %add3A_256 : i32
      %lt3A_258 = arith.constant 64 : i32
      %lt3A_259 = arith.cmpi slt, %add3A_257, %lt3A_258 : i32
      %convert_element_type3A_260 = arith.extui %lt3A_259 : i1 to i32
      %cond3A_261 = arith.constant 0 : i32
      %cond3A_262 = arith.cmpi ne, %convert_element_type3A_260, %cond3A_261 : i32
      scf.if %cond3A_262 {
        %add3A_263 = arith.constant 4 : i32
        %add3A_264 = arith.addi %add3A_247, %add3A_263 : i32
        %mul3A_265 = arith.constant 8192 : i32
        %mul3A_266 = arith.muli %add3A_264, %mul3A_265 : i32
        %add3A_267 = arith.addi %mul3A_2, %mul3A_266 : i32
        %dma_start3A_268 = tpu.memref_slice %arg2[%add3A_267] : memref<16777216xi32, #tpu.memory_space<hbm>> -> memref<8192xi32, #tpu.memory_space<hbm>>
        %dma_start3A_269 = tpu.memref_slice %arg2[%add3A_267] : memref<16777216xi32, #tpu.memory_space<hbm>> -> memref<8192xi32, #tpu.memory_space<hbm>>
        tpu.enqueue_dma source(%dma_start3A_269 : memref<8192xi32, #tpu.memory_space<hbm>>) target(%arg7 : memref<8192xi32, #tpu.memory_space<vmem>>) target_semaphore(%arg13 : memref<!tpu.dma_semaphore, #tpu.memory_space<semaphore_mem>>)
      } else {
      }
    }
    %scan3A_27 = arith.constant 16 : i32
    %mul3A_28 = arith.constant 16 : i32
    %mul3A_29 = vector.broadcast %mul3A_28 : i32 to vector<16xi32>
    %mul3A_30 = arith.muli %iota3A, %mul3A_29 : vector<16xi32>
    %add3A_31 = arith.constant 0 : i32
    %add3A_32 = vector.broadcast %add3A_31 : i32 to vector<16xi32>
    %add3A_33 = arith.addi %iota3A, %add3A_32 : vector<16xi32>
    %and3A = arith.constant 15 : i32
    %and3A_34 = vector.broadcast %and3A : i32 to vector<16xi32>
    %and3A_35 = arith.andi %add3A_33, %and3A_34 : vector<16xi32>
    %add3A_36 = arith.addi %mul3A_30, %and3A_35 : vector<16xi32>
    %mul3A_37 = arith.constant 16 : i32
    %mul3A_38 = vector.broadcast %mul3A_37 : i32 to vector<16xi32>
    %mul3A_39 = arith.muli %iota3A, %mul3A_38 : vector<16xi32>
    %add3A_40 = arith.constant 1 : i32
    %add3A_41 = vector.broadcast %add3A_40 : i32 to vector<16xi32>
    %add3A_42 = arith.addi %iota3A, %add3A_41 : vector<16xi32>
    %and3A_43 = arith.constant 15 : i32
    %and3A_44 = vector.broadcast %and3A_43 : i32 to vector<16xi32>
    %and3A_45 = arith.andi %add3A_42, %and3A_44 : vector<16xi32>
    %add3A_46 = arith.addi %mul3A_39, %and3A_45 : vector<16xi32>
    %mul3A_47 = arith.constant 16 : i32
    %mul3A_48 = vector.broadcast %mul3A_47 : i32 to vector<16xi32>
    %mul3A_49 = arith.muli %iota3A, %mul3A_48 : vector<16xi32>
    %add3A_50 = arith.constant 2 : i32
    %add3A_51 = vector.broadcast %add3A_50 : i32 to vector<16xi32>
    %add3A_52 = arith.addi %iota3A, %add3A_51 : vector<16xi32>
    %and3A_53 = arith.constant 15 : i32
    %and3A_54 = vector.broadcast %and3A_53 : i32 to vector<16xi32>
    %and3A_55 = arith.andi %add3A_52, %and3A_54 : vector<16xi32>
    %add3A_56 = arith.addi %mul3A_49, %and3A_55 : vector<16xi32>
    %mul3A_57 = arith.constant 16 : i32
    %mul3A_58 = vector.broadcast %mul3A_57 : i32 to vector<16xi32>
    %mul3A_59 = arith.muli %iota3A, %mul3A_58 : vector<16xi32>
    %add3A_60 = arith.constant 3 : i32
    %add3A_61 = vector.broadcast %add3A_60 : i32 to vector<16xi32>
    %add3A_62 = arith.addi %iota3A, %add3A_61 : vector<16xi32>
    %and3A_63 = arith.constant 15 : i32
    %and3A_64 = vector.broadcast %and3A_63 : i32 to vector<16xi32>
    %and3A_65 = arith.andi %add3A_62, %and3A_64 : vector<16xi32>
    %add3A_66 = arith.addi %mul3A_59, %and3A_65 : vector<16xi32>
    %mul3A_67 = arith.constant 16 : i32
    %mul3A_68 = vector.broadcast %mul3A_67 : i32 to vector<16xi32>
    %mul3A_69 = arith.muli %iota3A, %mul3A_68 : vector<16xi32>
    %add3A_70 = arith.constant 4 : i32
    %add3A_71 = vector.broadcast %add3A_70 : i32 to vector<16xi32>
    %add3A_72 = arith.addi %iota3A, %add3A_71 : vector<16xi32>
    %and3A_73 = arith.constant 15 : i32
    %and3A_74 = vector.broadcast %and3A_73 : i32 to vector<16xi32>
    %and3A_75 = arith.andi %add3A_72, %and3A_74 : vector<16xi32>
    %add3A_76 = arith.addi %mul3A_69, %and3A_75 : vector<16xi32>
    %mul3A_77 = arith.constant 16 : i32
    %mul3A_78 = vector.broadcast %mul3A_77 : i32 to vector<16xi32>
    %mul3A_79 = arith.muli %iota3A, %mul3A_78 : vector<16xi32>
    %add3A_80 = arith.constant 5 : i32
    %add3A_81 = vector.broadcast %add3A_80 : i32 to vector<16xi32>
    %add3A_82 = arith.addi %iota3A, %add3A_81 : vector<16xi32>
    %and3A_83 = arith.constant 15 : i32
    %and3A_84 = vector.broadcast %and3A_83 : i32 to vector<16xi32>
    %and3A_85 = arith.andi %add3A_82, %and3A_84 : vector<16xi32>
    %add3A_86 = arith.addi %mul3A_79, %and3A_85 : vector<16xi32>
    %mul3A_87 = arith.constant 16 : i32
    %mul3A_88 = vector.broadcast %mul3A_87 : i32 to vector<16xi32>
    %mul3A_89 = arith.muli %iota3A, %mul3A_88 : vector<16xi32>
    %add3A_90 = arith.constant 6 : i32
    %add3A_91 = vector.broadcast %add3A_90 : i32 to vector<16xi32>
    %add3A_92 = arith.addi %iota3A, %add3A_91 : vector<16xi32>
    %and3A_93 = arith.constant 15 : i32
    %and3A_94 = vector.broadcast %and3A_93 : i32 to vector<16xi32>
    %and3A_95 = arith.andi %add3A_92, %and3A_94 : vector<16xi32>
    %add3A_96 = arith.addi %mul3A_89, %and3A_95 : vector<16xi32>
    %mul3A_97 = arith.constant 16 : i32
    %mul3A_98 = vector.broadcast %mul3A_97 : i32 to vector<16xi32>
    %mul3A_99 = arith.muli %iota3A, %mul3A_98 : vector<16xi32>
    %add3A_100 = arith.constant 7 : i32
    %add3A_101 = vector.broadcast %add3A_100 : i32 to vector<16xi32>
    %add3A_102 = arith.addi %iota3A, %add3A_101 : vector<16xi32>
    %and3A_103 = arith.constant 15 : i32
    %and3A_104 = vector.broadcast %and3A_103 : i32 to vector<16xi32>
    %and3A_105 = arith.andi %add3A_102, %and3A_104 : vector<16xi32>
    %add3A_106 = arith.addi %mul3A_99, %and3A_105 : vector<16xi32>
    %mul3A_107 = arith.constant 16 : i32
    %mul3A_108 = vector.broadcast %mul3A_107 : i32 to vector<16xi32>
    %mul3A_109 = arith.muli %iota3A, %mul3A_108 : vector<16xi32>
    %add3A_110 = arith.constant 8 : i32
    %add3A_111 = vector.broadcast %add3A_110 : i32 to vector<16xi32>
    %add3A_112 = arith.addi %iota3A, %add3A_111 : vector<16xi32>
    %and3A_113 = arith.constant 15 : i32
    %and3A_114 = vector.broadcast %and3A_113 : i32 to vector<16xi32>
    %and3A_115 = arith.andi %add3A_112, %and3A_114 : vector<16xi32>
    %add3A_116 = arith.addi %mul3A_109, %and3A_115 : vector<16xi32>
    %mul3A_117 = arith.constant 16 : i32
    %mul3A_118 = vector.broadcast %mul3A_117 : i32 to vector<16xi32>
    %mul3A_119 = arith.muli %iota3A, %mul3A_118 : vector<16xi32>
    %add3A_120 = arith.constant 9 : i32
    %add3A_121 = vector.broadcast %add3A_120 : i32 to vector<16xi32>
    %add3A_122 = arith.addi %iota3A, %add3A_121 : vector<16xi32>
    %and3A_123 = arith.constant 15 : i32
    %and3A_124 = vector.broadcast %and3A_123 : i32 to vector<16xi32>
    %and3A_125 = arith.andi %add3A_122, %and3A_124 : vector<16xi32>
    %add3A_126 = arith.addi %mul3A_119, %and3A_125 : vector<16xi32>
    %mul3A_127 = arith.constant 16 : i32
    %mul3A_128 = vector.broadcast %mul3A_127 : i32 to vector<16xi32>
    %mul3A_129 = arith.muli %iota3A, %mul3A_128 : vector<16xi32>
    %add3A_130 = arith.constant 10 : i32
    %add3A_131 = vector.broadcast %add3A_130 : i32 to vector<16xi32>
    %add3A_132 = arith.addi %iota3A, %add3A_131 : vector<16xi32>
    %and3A_133 = arith.constant 15 : i32
    %and3A_134 = vector.broadcast %and3A_133 : i32 to vector<16xi32>
    %and3A_135 = arith.andi %add3A_132, %and3A_134 : vector<16xi32>
    %add3A_136 = arith.addi %mul3A_129, %and3A_135 : vector<16xi32>
    %mul3A_137 = arith.constant 16 : i32
    %mul3A_138 = vector.broadcast %mul3A_137 : i32 to vector<16xi32>
    %mul3A_139 = arith.muli %iota3A, %mul3A_138 : vector<16xi32>
    %add3A_140 = arith.constant 11 : i32
    %add3A_141 = vector.broadcast %add3A_140 : i32 to vector<16xi32>
    %add3A_142 = arith.addi %iota3A, %add3A_141 : vector<16xi32>
    %and3A_143 = arith.constant 15 : i32
    %and3A_144 = vector.broadcast %and3A_143 : i32 to vector<16xi32>
    %and3A_145 = arith.andi %add3A_142, %and3A_144 : vector<16xi32>
    %add3A_146 = arith.addi %mul3A_139, %and3A_145 : vector<16xi32>
    %mul3A_147 = arith.constant 16 : i32
    %mul3A_148 = vector.broadcast %mul3A_147 : i32 to vector<16xi32>
    %mul3A_149 = arith.muli %iota3A, %mul3A_148 : vector<16xi32>
    %add3A_150 = arith.constant 12 : i32
    %add3A_151 = vector.broadcast %add3A_150 : i32 to vector<16xi32>
    %add3A_152 = arith.addi %iota3A, %add3A_151 : vector<16xi32>
    %and3A_153 = arith.constant 15 : i32
    %and3A_154 = vector.broadcast %and3A_153 : i32 to vector<16xi32>
    %and3A_155 = arith.andi %add3A_152, %and3A_154 : vector<16xi32>
    %add3A_156 = arith.addi %mul3A_149, %and3A_155 : vector<16xi32>
    %mul3A_157 = arith.constant 16 : i32
    %mul3A_158 = vector.broadcast %mul3A_157 : i32 to vector<16xi32>
    %mul3A_159 = arith.muli %iota3A, %mul3A_158 : vector<16xi32>
    %add3A_160 = arith.constant 13 : i32
    %add3A_161 = vector.broadcast %add3A_160 : i32 to vector<16xi32>
    %add3A_162 = arith.addi %iota3A, %add3A_161 : vector<16xi32>
    %and3A_163 = arith.constant 15 : i32
    %and3A_164 = vector.broadcast %and3A_163 : i32 to vector<16xi32>
    %and3A_165 = arith.andi %add3A_162, %and3A_164 : vector<16xi32>
    %add3A_166 = arith.addi %mul3A_159, %and3A_165 : vector<16xi32>
    %mul3A_167 = arith.constant 16 : i32
    %mul3A_168 = vector.broadcast %mul3A_167 : i32 to vector<16xi32>
    %mul3A_169 = arith.muli %iota3A, %mul3A_168 : vector<16xi32>
    %add3A_170 = arith.constant 14 : i32
    %add3A_171 = vector.broadcast %add3A_170 : i32 to vector<16xi32>
    %add3A_172 = arith.addi %iota3A, %add3A_171 : vector<16xi32>
    %and3A_173 = arith.constant 15 : i32
    %and3A_174 = vector.broadcast %and3A_173 : i32 to vector<16xi32>
    %and3A_175 = arith.andi %add3A_172, %and3A_174 : vector<16xi32>
    %add3A_176 = arith.addi %mul3A_169, %and3A_175 : vector<16xi32>
    %mul3A_177 = arith.constant 16 : i32
    %mul3A_178 = vector.broadcast %mul3A_177 : i32 to vector<16xi32>
    %mul3A_179 = arith.muli %iota3A, %mul3A_178 : vector<16xi32>
    %add3A_180 = arith.constant 15 : i32
    %add3A_181 = vector.broadcast %add3A_180 : i32 to vector<16xi32>
    %add3A_182 = arith.addi %iota3A, %add3A_181 : vector<16xi32>
    %and3A_183 = arith.constant 15 : i32
    %and3A_184 = vector.broadcast %and3A_183 : i32 to vector<16xi32>
    %and3A_185 = arith.andi %add3A_182, %and3A_184 : vector<16xi32>
    %add3A_186 = arith.addi %mul3A_179, %and3A_185 : vector<16xi32>
    %parallel_loop3A_187 = arith.constant 0 : i32
    %parallel_loop3A_188 = arith.constant 320 : i32
    %parallel_loop3A_189 = arith.constant 1 : i32
    scf.for %parallel_loop3A_190 = %parallel_loop3A_187 to %parallel_loop3A_188 step %parallel_loop3A_189  : i32 {
      %parallel_loop3A_191 = arith.constant 256 : i32
      %parallel_loop3A_192 = arith.muli %parallel_loop3A_190, %parallel_loop3A_191 : i32
      %parallel_loop3A_193 = vector.broadcast %parallel_loop3A_192 : i32 to vector<16xi32>
      %parallel_loop3A_194 = arith.addi %parallel_loop3A_193, %add3A_36 : vector<16xi32>
      %parallel_loop3A_195 = tpu.vector_load_idx %arg8[%parallel_loop3A_194] : memref<81920xi32, #tpu.memory_space<vmem>>[vector<16xi32>], vector<16xi32>,
      %parallel_loop3A_196 = vector.broadcast %parallel_loop3A_192 : i32 to vector<16xi32>
      %parallel_loop3A_197 = arith.addi %parallel_loop3A_196, %add3A_46 : vector<16xi32>
      %parallel_loop3A_198 = tpu.vector_load_idx %arg8[%parallel_loop3A_197] : memref<81920xi32, #tpu.memory_space<vmem>>[vector<16xi32>], vector<16xi32>,
      %parallel_loop3A_199 = arith.addi %parallel_loop3A_195, %parallel_loop3A_198 : vector<16xi32>
      %parallel_loop3A_200 = vector.broadcast %parallel_loop3A_192 : i32 to vector<16xi32>
      %parallel_loop3A_201 = arith.addi %parallel_loop3A_200, %add3A_56 : vector<16xi32>
      %parallel_loop3A_202 = tpu.vector_load_idx %arg8[%parallel_loop3A_201] : memref<81920xi32, #tpu.memory_space<vmem>>[vector<16xi32>], vector<16xi32>,
      %parallel_loop3A_203 = arith.addi %parallel_loop3A_199, %parallel_loop3A_202 : vector<16xi32>
      %parallel_loop3A_204 = vector.broadcast %parallel_loop3A_192 : i32 to vector<16xi32>
      %parallel_loop3A_205 = arith.addi %parallel_loop3A_204, %add3A_66 : vector<16xi32>
      %parallel_loop3A_206 = tpu.vector_load_idx %arg8[%parallel_loop3A_205] : memref<81920xi32, #tpu.memory_space<vmem>>[vector<16xi32>], vector<16xi32>,
      %parallel_loop3A_207 = arith.addi %parallel_loop3A_203, %parallel_loop3A_206 : vector<16xi32>
      %parallel_loop3A_208 = vector.broadcast %parallel_loop3A_192 : i32 to vector<16xi32>
      %parallel_loop3A_209 = arith.addi %parallel_loop3A_208, %add3A_76 : vector<16xi32>
      %parallel_loop3A_210 = tpu.vector_load_idx %arg8[%parallel_loop3A_209] : memref<81920xi32, #tpu.memory_space<vmem>>[vector<16xi32>], vector<16xi32>,
      %parallel_loop3A_211 = arith.addi %parallel_loop3A_207, %parallel_loop3A_210 : vector<16xi32>
      %parallel_loop3A_212 = vector.broadcast %parallel_loop3A_192 : i32 to vector<16xi32>
      %parallel_loop3A_213 = arith.addi %parallel_loop3A_212, %add3A_86 : vector<16xi32>
      %parallel_loop3A_214 = tpu.vector_load_idx %arg8[%parallel_loop3A_213] : memref<81920xi32, #tpu.memory_space<vmem>>[vector<16xi32>], vector<16xi32>,
      %parallel_loop3A_215 = arith.addi %parallel_loop3A_211, %parallel_loop3A_214 : vector<16xi32>
      %parallel_loop3A_216 = vector.broadcast %parallel_loop3A_192 : i32 to vector<16xi32>
      %parallel_loop3A_217 = arith.addi %parallel_loop3A_216, %add3A_96 : vector<16xi32>
      %parallel_loop3A_218 = tpu.vector_load_idx %arg8[%parallel_loop3A_217] : memref<81920xi32, #tpu.memory_space<vmem>>[vector<16xi32>], vector<16xi32>,
      %parallel_loop3A_219 = arith.addi %parallel_loop3A_215, %parallel_loop3A_218 : vector<16xi32>
      %parallel_loop3A_220 = vector.broadcast %parallel_loop3A_192 : i32 to vector<16xi32>
      %parallel_loop3A_221 = arith.addi %parallel_loop3A_220, %add3A_106 : vector<16xi32>
      %parallel_loop3A_222 = tpu.vector_load_idx %arg8[%parallel_loop3A_221] : memref<81920xi32, #tpu.memory_space<vmem>>[vector<16xi32>], vector<16xi32>,
      %parallel_loop3A_223 = arith.addi %parallel_loop3A_219, %parallel_loop3A_222 : vector<16xi32>
      %parallel_loop3A_224 = vector.broadcast %parallel_loop3A_192 : i32 to vector<16xi32>
      %parallel_loop3A_225 = arith.addi %parallel_loop3A_224, %add3A_116 : vector<16xi32>
      %parallel_loop3A_226 = tpu.vector_load_idx %arg8[%parallel_loop3A_225] : memref<81920xi32, #tpu.memory_space<vmem>>[vector<16xi32>], vector<16xi32>,
      %parallel_loop3A_227 = arith.addi %parallel_loop3A_223, %parallel_loop3A_226 : vector<16xi32>
      %parallel_loop3A_228 = vector.broadcast %parallel_loop3A_192 : i32 to vector<16xi32>
      %parallel_loop3A_229 = arith.addi %parallel_loop3A_228, %add3A_126 : vector<16xi32>
      %parallel_loop3A_230 = tpu.vector_load_idx %arg8[%parallel_loop3A_229] : memref<81920xi32, #tpu.memory_space<vmem>>[vector<16xi32>], vector<16xi32>,
      %parallel_loop3A_231 = arith.addi %parallel_loop3A_227, %parallel_loop3A_230 : vector<16xi32>
      %parallel_loop3A_232 = vector.broadcast %parallel_loop3A_192 : i32 to vector<16xi32>
      %parallel_loop3A_233 = arith.addi %parallel_loop3A_232, %add3A_136 : vector<16xi32>
      %parallel_loop3A_234 = tpu.vector_load_idx %arg8[%parallel_loop3A_233] : memref<81920xi32, #tpu.memory_space<vmem>>[vector<16xi32>], vector<16xi32>,
      %parallel_loop3A_235 = arith.addi %parallel_loop3A_231, %parallel_loop3A_234 : vector<16xi32>
      %parallel_loop3A_236 = vector.broadcast %parallel_loop3A_192 : i32 to vector<16xi32>
      %parallel_loop3A_237 = arith.addi %parallel_loop3A_236, %add3A_146 : vector<16xi32>
      %parallel_loop3A_238 = tpu.vector_load_idx %arg8[%parallel_loop3A_237] : memref<81920xi32, #tpu.memory_space<vmem>>[vector<16xi32>], vector<16xi32>,
      %parallel_loop3A_239 = arith.addi %parallel_loop3A_235, %parallel_loop3A_238 : vector<16xi32>
      %parallel_loop3A_240 = vector.broadcast %parallel_loop3A_192 : i32 to vector<16xi32>
      %parallel_loop3A_241 = arith.addi %parallel_loop3A_240, %add3A_156 : vector<16xi32>
      %parallel_loop3A_242 = tpu.vector_load_idx %arg8[%parallel_loop3A_241] : memref<81920xi32, #tpu.memory_space<vmem>>[vector<16xi32>], vector<16xi32>,
      %parallel_loop3A_243 = arith.addi %parallel_loop3A_239, %parallel_loop3A_242 : vector<16xi32>
      %parallel_loop3A_244 = vector.broadcast %parallel_loop3A_192 : i32 to vector<16xi32>
      %parallel_loop3A_245 = arith.addi %parallel_loop3A_244, %add3A_166 : vector<16xi32>
      %parallel_loop3A_246 = tpu.vector_load_idx %arg8[%parallel_loop3A_245] : memref<81920xi32, #tpu.memory_space<vmem>>[vector<16xi32>], vector<16xi32>,
      %parallel_loop3A_247 = arith.addi %parallel_loop3A_243, %parallel_loop3A_246 : vector<16xi32>
      %parallel_loop3A_248 = vector.broadcast %parallel_loop3A_192 : i32 to vector<16xi32>
      %parallel_loop3A_249 = arith.addi %parallel_loop3A_248, %add3A_176 : vector<16xi32>
      %parallel_loop3A_250 = tpu.vector_load_idx %arg8[%parallel_loop3A_249] : memref<81920xi32, #tpu.memory_space<vmem>>[vector<16xi32>], vector<16xi32>,
      %parallel_loop3A_251 = arith.addi %parallel_loop3A_247, %parallel_loop3A_250 : vector<16xi32>
      %parallel_loop3A_252 = vector.broadcast %parallel_loop3A_192 : i32 to vector<16xi32>
      %parallel_loop3A_253 = arith.addi %parallel_loop3A_252, %add3A_186 : vector<16xi32>
      %parallel_loop3A_254 = tpu.vector_load_idx %arg8[%parallel_loop3A_253] : memref<81920xi32, #tpu.memory_space<vmem>>[vector<16xi32>], vector<16xi32>,
      %parallel_loop3A_255 = arith.addi %parallel_loop3A_251, %parallel_loop3A_254 : vector<16xi32>
      %parallel_loop3A_256 = arith.constant 16 : i32
      %parallel_loop3A_257 = arith.muli %parallel_loop3A_190, %parallel_loop3A_256 : i32
      %parallel_loop3A_258 = arith.constant 0 : i32
      %parallel_loop3A_259 = arith.index_cast %parallel_loop3A_258 : i32 to index
      %parallel_loop3A_260 = arith.index_cast %parallel_loop3A_257 : i32 to index
      %parallel_loop3A_261 = tpu.vector_load %arg9[%parallel_loop3A_259, %parallel_loop3A_260] {strides = array<i32>} : memref<1x5120xi32, #tpu.memory_space<vmem>>, vector<16xi32>,
      tpu.vector_store %arg9[%parallel_loop3A_259, %parallel_loop3A_260], %parallel_loop3A_255 {strides = array<i32>} : memref<1x5120xi32, #tpu.memory_space<vmem>>, vector<16xi32>,
    } {sc.loop_unroll_factor = 2 : i64, sc.parallel_access}
    %run_scoped3A = arith.constant 0 : i32
    "tpu.region"() ({
      %run_scoped3A_190 = tpu.sem_alloc : memref<!tpu.dma_semaphore, #tpu.memory_space<semaphore_mem>>
      %dma_start3A_191 = arith.constant 0 : i32
      %dma_start3A_192 = tpu.memref_slice %arg9[%run_scoped3A, %dma_start3A_191] : memref<1x5120xi32, #tpu.memory_space<vmem>> -> memref<1x5120xi32, #tpu.memory_space<vmem>>
      %dma_start3A_193 = tpu.memref_squeeze %dma_start3A_192 : memref<1x5120xi32, #tpu.memory_space<vmem>> -> memref<5120xi32, #tpu.memory_space<vmem>>
      %dma_start3A_194 = arith.constant 0 : i32
      %dma_start3A_195 = tpu.memref_slice %arg3[%add3A, %dma_start3A_194] : memref<32x5120xi32, #tpu.memory_space<hbm>> -> memref<1x5120xi32, #tpu.memory_space<hbm>>
      %dma_start3A_196 = tpu.memref_squeeze %dma_start3A_195 : memref<1x5120xi32, #tpu.memory_space<hbm>> -> memref<5120xi32, #tpu.memory_space<hbm>>
      %dma_start3A_197 = arith.constant 0 : i32
      %dma_start3A_198 = tpu.memref_slice %arg3[%add3A, %dma_start3A_197] : memref<32x5120xi32, #tpu.memory_space<hbm>> -> memref<1x5120xi32, #tpu.memory_space<hbm>>
      %dma_start3A_199 = tpu.memref_squeeze %dma_start3A_198 : memref<1x5120xi32, #tpu.memory_space<hbm>> -> memref<5120xi32, #tpu.memory_space<hbm>>
      %dma_start3A_200 = arith.constant 0 : i32
      %dma_start3A_201 = tpu.memref_slice %arg9[%run_scoped3A, %dma_start3A_200] : memref<1x5120xi32, #tpu.memory_space<vmem>> -> memref<1x5120xi32, #tpu.memory_space<vmem>>
      %dma_start3A_202 = tpu.memref_squeeze %dma_start3A_201 : memref<1x5120xi32, #tpu.memory_space<vmem>> -> memref<5120xi32, #tpu.memory_space<vmem>>
      tpu.enqueue_dma source(%dma_start3A_202 : memref<5120xi32, #tpu.memory_space<vmem>>) target(%dma_start3A_199 : memref<5120xi32, #tpu.memory_space<hbm>>) target_semaphore(%run_scoped3A_190 : memref<!tpu.dma_semaphore, #tpu.memory_space<semaphore_mem>>)
      %dma_wait3A = arith.constant 0 : i32
      %dma_wait3A_203 = tpu.memref_slice %arg9[%run_scoped3A, %dma_wait3A] : memref<1x5120xi32, #tpu.memory_space<vmem>> -> memref<1x5120xi32, #tpu.memory_space<vmem>>
      %dma_wait3A_204 = tpu.memref_squeeze %dma_wait3A_203 : memref<1x5120xi32, #tpu.memory_space<vmem>> -> memref<5120xi32, #tpu.memory_space<vmem>>
      %dma_wait3A_205 = arith.constant 0 : i32
      %dma_wait3A_206 = tpu.memref_slice %arg3[%add3A, %dma_wait3A_205] : memref<32x5120xi32, #tpu.memory_space<hbm>> -> memref<1x5120xi32, #tpu.memory_space<hbm>>
      %dma_wait3A_207 = tpu.memref_squeeze %dma_wait3A_206 : memref<1x5120xi32, #tpu.memory_space<hbm>> -> memref<5120xi32, #tpu.memory_space<hbm>>
      %dma_wait3A_208 = arith.constant 0 : i32
      %dma_wait3A_209 = tpu.memref_slice %arg3[%add3A, %dma_wait3A_208] : memref<32x5120xi32, #tpu.memory_space<hbm>> -> memref<1x5120xi32, #tpu.memory_space<hbm>>
      %dma_wait3A_210 = tpu.memref_squeeze %dma_wait3A_209 : memref<1x5120xi32, #tpu.memory_space<hbm>> -> memref<5120xi32, #tpu.memory_space<hbm>>
      %dma_wait3A_211 = arith.constant 0 : i32
      %dma_wait3A_212 = tpu.memref_slice %arg9[%run_scoped3A, %dma_wait3A_211] : memref<1x5120xi32, #tpu.memory_space<vmem>> -> memref<1x5120xi32, #tpu.memory_space<vmem>>
      %dma_wait3A_213 = tpu.memref_squeeze %dma_wait3A_212 : memref<1x5120xi32, #tpu.memory_space<vmem>> -> memref<5120xi32, #tpu.memory_space<vmem>>
      tpu.wait_dma2 semaphore(%run_scoped3A_190 : memref<!tpu.dma_semaphore, #tpu.memory_space<semaphore_mem>>) src(%dma_wait3A_213 : memref<5120xi32, #tpu.memory_space<vmem>>) dst(%dma_wait3A_210 : memref<5120xi32, #tpu.memory_space<hbm>>)
      tpu.yield
    }) : () -> ()
    return
  }
}

</mosaic_0001>

<sc_bundles>
// kernel: _sc_hist.3.cloned.1.call-start
scs
__scs_entry_jumppad:
0x0: {  	(pc) =	sbr.rel $0x88, $3  }
0x1: {  	(tag) =	ssettag $0x0;
	lr =	simm.s32 $0x1  }
0x2: {  	[smem:$0x3FA0] =	sst lr;
	_ =	strace $0xD0000000  }
0x3: {  	_ = 	snop  }
0x4: {  	_ = 	snop  }
0x5: {  	_ = 	snop  }
0x6: {  	_ = 	snop  }
0x7: {  	_ = 	snop  }
__scs_overlays_trampoline_lowered:
0x8: {  	[smem:$0x3FAF] =	sst s0  }
0x9: {  	[smem:$0x3FB0] =	sst s1  }
0xa: {  	[smem:$0x3FB1] =	sst s2  }
0xb: {  	[smem:$0x3FB2] =	sst s3  }
0xc: {  	[smem:$0x3FB3] =	sst s4  }
0xd: {  	[smem:$0x3FB4] =	sst s5  }
0xe: {  	[smem:$0x3FB5] =	sst s6  }
0xf: {  	[smem:$0x3FB6] =	sst s7  }
0x10: {  	[smem:$0x3FB7] =	sst s8  }
0x11: {  	[smem:$0x3FB8] =	sst s9;
	s0 =	simm.s32 @!p0 $0x0  }
0x12: {  	s1 =	sld [smem:$0x3F9E];
	s0 =	simm.s32 @p0 $0x1  }
0x13: {  	[smem:$0x3FB9] =	sst s0;
	s0 =	simm.s32 @!p1 $0x0  }
0x14: {  	s2 =	sld [smem:$0x3F9D];
	s0 =	simm.s32 @p1 $0x1  }
0x15: {  	[smem:$0x3FBA] =	sst s0;
	s0 =	simm.s32 @!p2 $0x0  }
0x16: {  	s3 =	sld [smem:$0x3FDB];
	s0 =	simm.s32 @p2 $0x1  }
0x17: {  	s4 =	simm.s32 $0x1BF5;
	[smem:$0x3FBC] =	sst s0  }
0x18: {  	s0 =	sld [smem:$0x3F9F];
	_ =	swait.ge [sflag:s4], $0x0  }
0x19: {  	s7 =	sld [smem:$0x3FA0]  }
0x1a: {  	s8 =	sadd.s32 $0xFFFFE003, lr  }
0x1b: {  	s9 =	sadd.s32 $0xFFFFFEF7, lr;
	s5 =	simm.s32 $0xFFFFFFFF;
	p2 =	slt.u32 s8, $0xFFFFF086  }
0x1c: {  	p1 =	slt.u32 s9, $0xF7A;
	s5 =	simm.s32 @!p2 $0x0  }
0x1d: {  	s5 =	simm.s32 @p1 $0x1;
	p0 =	seq.s32 s7, s2  }
0x1e: {  	s7 =	smul.u32 @!p0 $0xF7A, s2;
	p2 =	seq.s32 @!p0 s5, $0x0  }
0x1f: {  	s9 =	smul.u32 $0xF7A, s1;
	s8 =	simm.s32 @!p0 $0x1BF5;
	p2 =	por !p2, p0  }
0x20: {  	[sflag:s8] =	ssyncset.s32 @!p0 $0xFFFFF086;
	s6 =	sadd.s32 @!p0 s3, s7;
	s7 =	simm.s32 @!p0 $0x108  }
0x21: {  	s3 =	sadd.s32 s3, s9;
	s6 =	sadd.s32 @!p0 $0x88, s6;
	s7 =	simm.s32 @p2 $0x1082  }
0x22: {  	[simem:s7], [sflag:s8] =	dma.local @!p0 [hbm:s6], $0xF7A  }
0x23: {  	s9 =	sor.u32 $0xD0000000, s2;
	s6 =	simm.s32 $0x108;
	_ =	swait.ge @!p0 [sflag:s8], $0x0  }
0x24: {  	s3 =	sadd.s32 $0x88, s3;
	s6 =	simm.s32 @!p1 $0x1082;
	[sflag:s4] =	ssyncset.s32 $0xFFFFF086  }
0x25: {  	[simem:s6], [sflag:s4] =	dma.local [hbm:s3], $0xF7A  }
0x26: {  	[smem:$0x3FA0] =	sst s1;
	(tag) =	ssettag s2;
	_ =	strace s9  }
0x27: {  	s1 =	sld [smem:$0x3FB0]  }
0x28: {  	s2 =	sld [smem:$0x3FB1]  }
0x29: {  	s4 =	sld [smem:$0x3FB3]  }
0x2a: {  	p0 =	seq.s32 s5, $0x0;
	s5 =	sld [smem:$0x3FB4]  }
0x2b: {  	s6 =	sld [smem:$0x3FB5]  }
0x2c: {  	s7 =	sld [smem:$0x3FB6]  }
0x2d: {  	s3 =	simm.s32 $0x108;
	s8 =	sld [smem:$0x3FB7]  }
0x2e: {  	s3 =	simm.s32 @!p0 $0x1082;
	s9 =	sld [smem:$0x3FB8]  }
0x2f: {  	lr =	sadd.s32 s0, s3;
	s0 =	sld [smem:$0x3FAF]  }
0x30: {  	s3 =	sld [smem:$0x3FB2]  }
0x31: {  	[smem:$0x3FBB] =	sst s10  }
0x32: {  	s10 =	sld [smem:$0x3FB9];
	_ =	sdelay $0x3  }
0x33: {  	p0 =	seq.s32 s10, $0x1;
	s10 =	sld [smem:$0x3FBB];
	_ =	sdelay $0x3  }
0x34: {  	[smem:$0x3FBB] =	sst s10  }
0x35: {  	s10 =	sld [smem:$0x3FBA];
	_ =	sdelay $0x3  }
0x36: {  	p1 =	seq.s32 s10, $0x1;
	s10 =	sld [smem:$0x3FBB];
	_ =	sdelay $0x3  }
0x37: {  	[smem:$0x3FBB] =	sst s10  }
0x38: {  	s10 =	sld [smem:$0x3FBC]  }
0x39: {  	_ = 	snop;
	(pc) =	sbr.ind lr, $3  }
0x3a: {  	_ = 	snop  }
0x3b: {  	_ = 	snop  }
0x3c: {  	p2 =	seq.s32 s10, $0x1;
	s10 =	sld [smem:$0x3FBB]  }
0x3d: {  	_ =	shalt  }
0x3e: {  	_ =	shalt  }
0x3f: {  	_ =	shalt  }
0x40: {  	_ =	shalt  }
0x41: {  	_ =	shalt  }
0x42: {  	_ =	shalt  }
0x43: {  	_ =	shalt  }
0x44: {  	_ =	shalt  }
0x45: {  	_ =	shalt  }
0x46: {  	_ =	shalt  }
0x47: {  	_ =	shalt  }
0x48: {  	_ =	shalt  }
0x49: {  	_ =	shalt  }
0x4a: {  	_ =	shalt  }
0x4b: {  	_ =	shalt  }
0x4c: {  	_ =	shalt  }
0x4d: {  	_ =	shalt  }
0x4e: {  	_ =	shalt  }
0x4f: {  	_ =	shalt  }
0x50: {  	_ =	shalt  }
0x51: {  	_ =	shalt  }
0x52: {  	_ =	shalt  }
0x53: {  	_ =	shalt  }
0x54: {  	_ =	shalt  }
0x55: {  	_ =	shalt  }
0x56: {  	_ =	shalt  }
0x57: {  	_ =	shalt  }
0x58: {  	_ =	shalt  }
0x59: {  	_ =	shalt  }
0x5a: {  	_ =	shalt  }
0x5b: {  	_ =	shalt  }
0x5c: {  	_ =	shalt  }
0x5d: {  	_ =	shalt  }
0x5e: {  	_ =	shalt  }
0x5f: {  	_ =	shalt  }
0x60: {  	_ =	shalt  }
0x61: {  	_ =	shalt  }
0x62: {  	_ =	shalt  }
0x63: {  	_ =	shalt  }
0x64: {  	_ =	shalt  }
0x65: {  	_ =	shalt  }
0x66: {  	_ =	shalt  }
0x67: {  	_ =	shalt  }
0x68: {  	_ =	shalt  }
0x69: {  	_ =	shalt  }
0x6a: {  	_ =	shalt  }
0x6b: {  	_ =	shalt  }
0x6c: {  	_ =	shalt  }
0x6d: {  	_ =	shalt  }
0x6e: {  	_ =	shalt  }
0x6f: {  	_ =	shalt  }
0x70: {  	_ =	shalt  }
0x71: {  	_ =	shalt  }
0x72: {  	_ =	shalt  }
0x73: {  	_ =	shalt  }
0x74: {  	_ =	shalt  }
0x75: {  	_ =	shalt  }
0x76: {  	_ =	shalt  }
0x77: {  	_ =	shalt  }
0x78: {  	_ =	shalt  }
0x79: {  	_ =	shalt  }
0x7a: {  	_ =	shalt  }
0x7b: {  	_ =	shalt  }
0x7c: {  	_ =	shalt  }
0x7d: {  	_ =	shalt  }
0x7e: {  	_ =	shalt  }
0x7f: {  	_ =	shalt  }
0x80: {  	_ =	shalt  }
0x81: {  	_ =	shalt  }
0x82: {  	_ =	shalt  }
0x83: {  	_ =	shalt  }
0x84: {  	_ =	shalt  }
0x85: {  	_ =	shalt  }
0x86: {  	_ =	shalt  }
0x87: {  	_ =	shalt  }
.Lfunc_end0:
.L_simem_size_0:
called_computation_lowered:
.L_overlay_start_0:
0x88: {  	s2 =	sld [smem:$0x3FD9]  }
0x89: {  	s3 =	sld [smem:$0x3FFE];
	_ =	sdelay $0x1  }
0x8a: {  	s1 =	srdreg.scid  }
0x8b: {  	s0 =	sand.u32 $0x1, s1  }
0x8c: {  	s18 =	sshll.u32 s0, $0xA;
	s2 =	sadd.s32 s3, s2  }
0x8d: {  	s2 =	sadd.s32 s2, s18  }
0x8e: {  	[smem:$0x3FC7] =	sst s2  }
0x8f: {  	_ = 	snop  }
0x90: {  	s2 =	sld [smem:$0x3FC9]  }
0x91: {  	s19 =	sld [smem:$0x3FD0];
	(tm) =	ssettm $0x1  }
0x92: {  	s4 =	sld [smem:$0x3FFB];
	_ =	sdelay $0x3  }
0x93: {  	_ =	strace s4  }
0x94: {  	s4 =	sld [smem:$0x3FFC];
	_ =	sdelay $0x3  }
0x95: {  	_ =	strace s4  }
0x96: {  	s4 =	sld [smem:$0x3FFD];
	_ =	sdelay $0x3  }
0x97: {  	_ =	strace s4  }
0x98: {  	_ =	strace $0x8FFFFFFF  }
0x99: {  	s20 =	sld [smem:$0x3FDB];
	_ =	sdelay $0x1  }
0x9a: {  	s5 =	simm.s32 $_scs_section_size  }
0x9b: {  	s6 =	simm.s32 $_size__tile_overlayer_lowered;
	s7 =	simm.s32 $_tile_overlayer_lowered  }
0x9c: {  	s23 =	simm.s32 $0x1BFF;
	s22 =	sshll.u32 s7, $0x1;
	s4 =	sadd.s32 s5, s20  }
0x9d: {  	s8 =	simm.s32 $0x0;
	s21 =	sshll.u32 s6, $0x1;
	s6 =	sadd.s32 s22, s4  }
0x9e: {  	[timem:s8], [sflag:s23] =	dma.local [hbm:s6], s21  }
0x9f: {  	_ =	swait.ge [sflag:s23], s21  }
0xa0: {  	s5 =	ssub.s32 $0x0, s21;
	[sflag:s23] =	ssyncset.done $0x0  }
0xa1: {  	[sflag:s23] =	ssyncadd.s32 s5;
	_ =	sdelay $0x1  }
0xa2: {  	s24 =	simm.s32 $0x1B8B  }
0xa3: {  	_ =	swait.ge [sflag:s24], $0x1  }
0xa4: {  	[sflag:s24] =	ssyncset.done $0x0  }
0xa5: {  	s25 =	simm.s32 $0x1B8E;
	[sflag:s24] =	ssyncadd.s32 $0xFFFFFFFF  }
0xa6: {  	s26 =	simm.s32 $execute0_lowered;
	[smem:$0x3FD2] =	sst s25  }
0xa7: {  	s5 =	sshll.u32 s26, $0x1;
	_ =	strace $0x80000046;
	[dreg:$0x1] =	wrdreg $0xFFFFFFFF  }
0xa8: {  	s28 =	simm.s32 $_size_execute0_lowered;
	s4 =	sadd.s32 s4, s5;
	[dreg:$0x0] =	wrdreg $0x0  }
0xa9: {  	s5 =	sshll.u32 s28, $0x1;
	[dreg:$0x2] =	wrdreg s4  }
0xaa: {  	[dreg:$0x3] =	wrdreg s5  }
0xab: {  	[dreg:$0x4] =	wrdreg $0xC0  }
0xac: {  	_ =	task [dreg:s8], $0x5FFFF  }
0xad: {  	[dreg:$0x1] =	wrdreg $0xFFFFFFFF  }
0xae: {  	[dreg:$0x0] =	wrdreg $0x60  }
0xaf: {  	[dreg:$0x2] =	wrdreg s2  }
0xb0: {  	[dreg:$0x3] =	wrdreg s19  }
0xb1: {  	[dreg:$0x4] =	wrdreg $0x9  }
0xb2: {  	_ =	task.clear_ibuf [dreg:s8], $0x5FFFF;
	_ =	strace $0x90000046  }
0xb3: {  	s29 =	simm.s32 $0x9;
	_ =	strace $0x80000048  }
0xb4: {  	_ =	swait.ge [sflag:s29], $0x1  }
0xb5: {  	[sflag:s29] =	ssyncadd.s32 $0xFFFFFFFF  }
0xb6: {  	_ =	strace $0x90000048  }
0xb7: {  	_ =	sfence  }
0xb8: {  	s30 =	sld [smem:$0x0];
	_ =	sdelay $0x2  }
0xb9: {  	s31 =	sshll.u32 s1, $0xD;
	s1 =	sshrl.u32 s1, $0x2  }
0xba: {  	s3 =	sand.u32 $0x4000, s31;
	s1 =	sadd.s32 s1, s30  }
0xbb: {  	s0 =	sor.u32 s3, s0;
	s1 =	sshll.u32 s1, $0x11  }
0xbc: {  	s0 =	sor.u32 s1, s0  }
0xbd: {  	s0 =	sadd.s32 $0x8F2B, s0  }
0xbe: {  	[sflag:s0] =	ssyncadd.remote.s32 $0x1  }
0xbf: {  	_ =	sfence.sel $0xFFFF  }
0xc0: {  	[dreg:$0x0] =	wrdreg $0xFFFFFFFF;
	(pc) =	sbr.abs _section_cstart, $3  }
0xc1: {  	[dreg:$0x1] =	wrdreg $0xFFFFFFFF  }
0xc2: {  	_ =	task.clear_ibuf [dreg:s8], $0x2FFFF;
	_ =	strace $0x9FFFFFFF  }
0xc3: {  	(tm) =	ssettm $0x7FFFFFFF  }
tec
execute0_lowered:
.L_overlay_start_1:
0x0: {  	(tag) =	ssettag $0x1  }
0x1: {  	v0 =	vimm.s32 $0xBCAB9A89;
	v1 =	vimm.s32 $0xF0EFDECD  }
0x2: {  	v2 =	vimm.s32 $0x34231201;
	v3 =	vimm.s32 $0x78675645;
	v4 =	vimm.s32 $0xBDAC9B8A  }
0x3: {  	v5 =	vimm.s32 $0xF1E0DFCE;
	vm0 =	vcmask $0x1F10;
	v7 =	vimm.s32 $0x7A695847  }
0x4: {  	v9 =	vimm.s32 $0xB0AF9E8D;
	v12 =	vimm.s32 $0x7C6B5A49;
	v15 =	vimm.s32 $0x71605F4E  }
0x5: {  	v18 =	vimm.s32 $0x74635241;
	v19 =	vimm.s32 $0xB9A89786;
	v20 =	vimm.s32 $0xFDECDBCA  }
0x6: {  	v0 =	vunpack.c.0.s8.s32 v0;
	v1 =	vunpack.c.0.s8.s32 v1;
	v2 =	vunpack.c.0.s8.s32 v2  }
0x7: {  	v3 =	vunpack.c.0.s8.s32 v3;
	v6 =	vunpack.c.0.s8.s32 v4;
	v5 =	vunpack.c.0.s8.s32 v5  }
0x8: {  	v9 =	vunpack.c.0.s8.s32 v9;
	v12 =	vunpack.c.0.s8.s32 v12;
	v15 =	vunpack.c.0.s8.s32 v15  }
0x9: {  	v18 =	vunpack.c.0.s8.s32 v18;
	v0 =	vsel vm0, v1, v0;
	v1 =	vsel vm0, v3, v2  }
0xa: {  	v2 =	vimm.s32 $0x79685746;
	v3 =	vimm.s32 $0xBEAD9C8B;
	v4 =	vcombine.low v1, v0  }
0xb: {  	v0 =	vsel vm0, v5, v6;
	v1 =	vimm.s32 $0x35241302;
	v2 =	vunpack.c.0.s8.s32 v2  }
0xc: {  	v3 =	vunpack.c.0.s8.s32 v3;
	v5 =	vimm.s32 $0xF2E1D0CF;
	v1 =	vunpack.c.0.s8.s32 v1  }
0xd: {  	v6 =	vimm.s32 $0x36251403;
	v5 =	vunpack.c.0.s8.s32 v5;
	v4 =	vand.u32 $0xFF, v4  }
0xe: {  	v1 =	vsel vm0, v2, v1;
	v2 =	vunpack.c.0.s8.s32 v6;
	v6 =	vunpack.c.0.s8.s32 v7  }
0xf: {  	v3 =	vsel vm0, v5, v3;
	v5 =	vimm.s32 $0xBFAE9D8C;
	v7 =	vimm.s32 $0xF3E2D1C0  }
0x10: {  	v8 =	vunpack.c.0.s8.s32 v5;
	v7 =	vunpack.c.0.s8.s32 v7;
	v5 =	vimm.s32 $0x37261504  }
0x11: {  	v2 =	vsel vm0, v6, v2;
	v6 =	vimm.s32 $0x7B6A5948;
	v10 =	vunpack.c.0.s8.s32 v5  }
0x12: {  	v5 =	vimm.s32 $0xF4E3D2C1;
	v11 =	vunpack.c.0.s8.s32 v6;
	v6 =	vimm.s32 $0x38271605  }
0x13: {  	v13 =	vunpack.c.0.s8.s32 v5;
	v5 =	vcombine.low v1, v0;
	v0 =	vsel vm0, v7, v8  }
0x14: {  	v7 =	vimm.s32 $0xB1A09F8E;
	v8 =	vimm.s32 $0xF5E4D3C2;
	v14 =	vunpack.c.0.s8.s32 v6  }
0x15: {  	v6 =	vcombine.low v2, v3;
	v1 =	vsel vm0, v11, v10;
	v2 =	vsel vm0, v13, v9  }
0x16: {  	v9 =	vimm.s32 $0x39281706;
	v10 =	vunpack.c.0.s8.s32 v7;
	v11 =	vunpack.c.0.s8.s32 v8  }
0x17: {  	v7 =	vimm.s32 $0x7D6C5B4A;
	v8 =	vimm.s32 $0xB2A1908F;
	v5 =	vand.u32 $0xFF, v5  }
0x18: {  	v3 =	vsel vm0, v12, v14;
	v9 =	vunpack.c.0.s8.s32 v9;
	v12 =	vimm.s32 $0xF6E5D4C3  }
0x19: {  	v13 =	vunpack.c.0.s8.s32 v7;
	v14 =	vunpack.c.0.s8.s32 v8;
	v7 =	vcombine.low v1, v0  }
0x1a: {  	v6 =	vand.u32 $0xFF, v6;
	v12 =	vunpack.c.0.s8.s32 v12;
	v8 =	vcombine.low v3, v2  }
0x1b: {  	v0 =	vsel vm0, v11, v10;
	v3 =	vimm.s32 $0x3A291807;
	v10 =	vimm.s32 $0xB3A29180  }
0x1c: {  	v11 =	vimm.s32 $0xF7E6D5C4;
	v1 =	vsel vm0, v13, v9;
	v3 =	vunpack.c.0.s8.s32 v3  }
0x1d: {  	v9 =	vimm.s32 $0x7E6D5C4B;
	v10 =	vunpack.c.0.s8.s32 v10;
	v11 =	vunpack.c.0.s8.s32 v11  }
0x1e: {  	v13 =	vimm.s32 $0x7F6E5D4C;
	v7 =	vand.u32 $0xFF, v7;
	v9 =	vunpack.c.0.s8.s32 v9  }
0x1f: {  	v2 =	vsel vm0, v12, v14;
	v12 =	vimm.s32 $0x3B2A1908;
	v8 =	vand.u32 $0xFF, v8  }
0x20: {  	v3 =	vsel vm0, v9, v3;
	v9 =	vunpack.c.0.s8.s32 v12;
	v12 =	vunpack.c.0.s8.s32 v13  }
0x21: {  	v13 =	vcombine.low v1, v0;
	v0 =	vsel vm0, v11, v10;
	v10 =	vimm.s32 $0xF9E8D7C6  }
0x22: {  	v14 =	vcombine.low v3, v2;
	v2 =	vimm.s32 $0xB4A39281;
	v3 =	vimm.s32 $0xF8E7D6C5  }
0x23: {  	v10 =	vunpack.c.0.s8.s32 v10;
	v1 =	vsel vm0, v12, v9;
	v9 =	vimm.s32 $0xB5A49382  }
0x24: {  	v12 =	vimm.s32 $0x3D2C1B0A;
	v11 =	vcombine.low v1, v0;
	v0 =	vunpack.c.0.s8.s32 v2  }
0x25: {  	v1 =	vunpack.c.0.s8.s32 v3;
	v2 =	vimm.s32 $0x3C2B1A09;
	v3 =	vimm.s32 $0x706F5E4D  }
0x26: {  	v9 =	vunpack.c.0.s8.s32 v9;
	v2 =	vunpack.c.0.s8.s32 v2;
	v3 =	vunpack.c.0.s8.s32 v3  }
0x27: {  	v12 =	vunpack.c.0.s8.s32 v12;
	v0 =	vsel vm0, v1, v0;
	v11 =	vand.u32 $0xFF, v11  }
0x28: {  	v1 =	vsel vm0, v3, v2;
	v2 =	vimm.s32 $0xB6A59483;
	v3 =	vsel vm0, v10, v9  }
0x29: {  	v9 =	vsel vm0, v15, v12;
	v10 =	vimm.s32 $0xFAE9D8C7;
	v12 =	vimm.s32 $0x3E2D1C0B  }
0x2a: {  	v15 =	vimm.s32 $0x7261504F;
	v2 =	vunpack.c.0.s8.s32 v2;
	v10 =	vunpack.c.0.s8.s32 v10  }
0x2b: {  	v12 =	vunpack.c.0.s8.s32 v12;
	v15 =	vunpack.c.0.s8.s32 v15;
	v16 =	vcombine.low v1, v0  }
0x2c: {  	v17 =	vcombine.low v9, v3;
	v3 =	vimm.s32 $0x73625140;
	v9 =	vimm.s32 $0xB8A79685  }
0x2d: {  	v3 =	vunpack.c.0.s8.s32 v3;
	v9 =	vunpack.c.0.s8.s32 v9;
	v0 =	vsel vm0, v10, v2  }
0x2e: {  	v1 =	vsel vm0, v15, v12;
	v2 =	vimm.s32 $0xB7A69584;
	v10 =	vimm.s32 $0xFCEBDAC9  }
0x2f: {  	s0 =	rddreg [dreg:$0x0];
	v12 =	vimm.s32 $0x302F1E0D;
	v15 =	vcombine.low v1, v0;
	v1 =	vimm.s32 $0xFBEAD9C8  }
0x30: {  	s12 =	rddreg [dreg:$0x1];
	v0 =	vunpack.c.0.s8.s32 v2;
	v2 =	vimm.s32 $0x3F2E1D0C;
	v1 =	vunpack.c.0.s8.s32 v1  }
0x31: {  	s2 =	simm.s32 $0x0;
	s3 =	srdreg.scid;
	s15 =	simm.s32 $0x4000;
	v10 =	vunpack.c.0.s8.s32 v10;
	v12 =	vunpack.c.0.s8.s32 v12;
	v2 =	vunpack.c.0.s8.s32 v2  }
0x32: {  	s16 =	simm.s32 $0x6000;
	s17 =	simm.s32 $0x1;
	s18 =	simm.s32 $0x8000;
	v0 =	vsel vm0, v1, v0;
	v1 =	vunpack.c.0.s8.s32 v19;
	v19 =	vunpack.c.0.s8.s32 v20  }
0x33: {  	s19 =	simm.s32 $0x2;
	s20 =	simm.s32 $0x3;
	s21 =	simm.s32 $0x4;
	v2 =	vsel vm0, v3, v2;
	v3 =	vsel vm0, v10, v9;
	v9 =	vsel vm0, v18, v12  }
0x34: {  	s23 =	simm.s32 $0x400;
	s24 =	simm.s32 $0x1C000;
	[smem:$0x7FF] =	sst s2;
	v10 =	vimm.s32 $0x76655443;
	v18 =	vcombine.low v2, v0;
	v20 =	vcombine.low v9, v3  }
0x35: {  	s22 =	simm.s32 $0x80;
	s25 =	simm.s32 $0x5;
	s26 =	simm.s32 $0x0;
	v0 =	vimm.s32 $0x31201F0E;
	v2 =	vimm.s32 $0xBAA99887;
	v9 =	vimm.s32 $0x3221100F  }
0x36: {  	s4 =	sand.u32 $0x1, s3;
	s3 =	stileid.u32;
	_ =	strace $0x80000047;
	v10 =	vunpack.c.0.s8.s32 v10;
	v19 =	vsel vm0, v19, v1;
	v1 =	vimm.s32 $0x75645342  }
0x37: {  	s5 =	sshll.u32 s4, $0x4;
	s4 =	ssub.s32 $0x2, s4;
	s8 =	sshll.u32 s3, $0x7;
	v3 =	vunpack.c.0.s8.s32 v0;
	v0 =	vimm.s32 $0xFEEDDCCB;
	v9 =	vunpack.c.0.s8.s32 v9  }
0x38: {  	s5 =	sor.u32 s3, s5;
	s6 =	sshrl.u32 s4, $0x1;
	s14 =	sand.u32 $0x380, s8;
	v2 =	vunpack.c.0.s8.s32 v2;
	v1 =	vunpack.c.0.s8.s32 v1;
	v12 =	vunpack.c.0.s8.s32 v0  }
0x39: {  	s11 =	sshll.u32 s5, $0x13;
	s7 =	sshll.u32 s5, $0x10;
	s31 =	sshrl.u32 s5, $0x3;
	v0 =	vimm.s32 $0x0;
	v23 =	vsel vm0, v10, v9;
	v9 =	vand.u32 $0xFF, v13  }
0x3a: {  	s13 =	ssub.s32 s4, s6;
	s4 =	sadd.s32 s0, s7;
	s10 =	smul.u32 $0xA000, s31;
	v10 =	vand.u32 $0xFF, v14;
	v13 =	vand.u32 $0xFF, v17;
	v14 =	vand.u32 $0xFF, v15  }
0x3b: {  	s8 =	sor.u32 $0x8000, s11;
	s9 =	sor.u32 $0xA000, s11;
	s13 =	smax.u32 s13, $0x1;
	v15 =	vand.u32 $0xFF, v18;
	v21 =	vsel vm0, v1, v3;
	v22 =	vsel vm0, v12, v2  }
0x3c: {  	s5 =	sadd.s32 $0x400, s4;
	s6 =	sadd.s32 $0x800, s4;
	s14 =	sor.u32 s14, s10;
	v1 =	vlaneseq.u32;
	v19 =	vcombine.low v21, v19;
	v63 =	vcombine.low v23, v22  }
0x3d: {  	s7 =	sadd.s32 $0xC00, s4;
	s10 =	sor.u32 $0xC000, s11;
	s14 =	sshrl.u32 s14, $0x3;
	v2 =	vimm.s32 $0x1;
	v12 =	vand.u32 $0xFF, v16;
	v3 =	vmul.u32 $0x11, v1  }
0x3e: {  	s11 =	sor.u32 $0xE000, s11;
	s12 =	sadd.s32 s12, s14;
	s14 =	simm.s32 $0x2000;
	v16 =	vand.u32 $0xFF, v20;
	v17 =	vand.u32 $0xFF, v19;
	v18 =	vand.u32 $0xFF, v63  }
.LBB2_1:
0x3f: {  	[tilespmem:s2], [sflag:$0x1] =	stream.linear.gather [hbm4b:s4+s2], $0x2000, $0x38;
	[tilespmem:$0x1D400] =	vst v63  }
0x40: {  	_ = 	snop  }
0x41: {  	[tilespmem:s14], [sflag:$0x2] =	stream.linear.gather [hbm4b:s5+s2], $0x2000, $0x38;
	[tilespmem:$0x1D400] =	vst v63  }
0x42: {  	_ = 	snop  }
0x43: {  	[tilespmem:s15], [sflag:$0x3] =	stream.linear.gather [hbm4b:s6+s2], $0x2000, $0x38;
	[tilespmem:$0x1D400] =	vst v63  }
0x44: {  	s28 =	simm.s32 $0x8040  }
0x45: {  	[tilespmem:s16], [sflag:$0x4] =	stream.linear.gather [hbm4b:s7+s2], $0x2000, $0x38;
	[tilespmem:$0x1D400] =	vst v63  }
0x46: {  	[tilespmem:s28+$0xFFFFFFC0] =	vst v0  }
0x47: {  	[tilespmem:s28+$0x30] =	vst v0  }
0x48: {  	[tilespmem:s28+$0x20] =	vst v0  }
0x49: {  	[tilespmem:s28+$0x10] =	vst v0  }
0x4a: {  	[tilespmem:s28+$0x0] =	vst v0  }
0x4b: {  	[tilespmem:s28+$0xFFFFFFF0] =	vst v0  }
0x4c: {  	s29 =	simm.s32 $0x0;
	[tilespmem:s28+$0xFFFFFFE0] =	vst v0  }
.LBB2_2:
0x4d: {  	s29 =	sadd.s32 $0x8, s29;
	[tilespmem:s28+$0xFFFFFFD0] =	vst v0;
	s28 =	sadd.s32 $0x80, s28  }
0x4e: {  	[tilespmem:s28+$0xFFFFFFC0] =	vst v0;
	p0 =	slt.u32 s29, $0x13F8  }
0x4f: {  	[tilespmem:s28+$0x30] =	vst v0  }
.Ltmp0:
0x50: {  	[tilespmem:s28+$0x20] =	vst v0;
	(pc) =	sbr.rel @p0 .LBB2_2-.Ltmp0, $4  }
0x51: {  	[tilespmem:s28+$0x10] =	vst v0  }
0x52: {  	[tilespmem:s28+$0x0] =	vst v0  }
0x53: {  	[tilespmem:s28+$0xFFFFFFF0] =	vst v0  }
0x54: {  	[tilespmem:s28+$0xFFFFFFE0] =	vst v0  }
0x55: {  	[tilespmem:s28+$0xFFFFFFD0] =	vst v0;
	s28 =	simm.s32 $0x0  }
.LBB2_4:
0x56: {  	_ =	swait.ge [sflag:s17], $0x2000  }
0x57: {  	[sflag:s17] =	ssyncset.done $0x0  }
0x58: {  	s29 =	simm.s32 $0x80;
	[sflag:s17] =	ssyncadd.s32 $0xFFFFE000  }
0x59: {  	v19 =	vld [tilespmem:s29+$0xFFFFFFA0]  }
0x5a: {  	v20 =	vld [tilespmem:s29+$0xFFFFFFB0]  }
0x5b: {  	v21 =	vld [tilespmem:s29+$0xFFFFFFC0]  }
0x5c: {  	v22 =	vld [tilespmem:s29+$0xFFFFFFD0]  }
0x5d: {  	v23 =	vld [tilespmem:s29+$0xFFFFFF80]  }
0x5e: {  	v24 =	vld [tilespmem:s29+$0x70]  }
0x5f: {  	v25 =	vld [tilespmem:s29+$0x60]  }
0x60: {  	v26 =	vld [tilespmem:s29+$0x50]  }
0x61: {  	v27 =	vld [tilespmem:s29+$0x40]  }
0x62: {  	v28 =	vld [tilespmem:s29+$0x30]  }
0x63: {  	v33 =	vld [tilespmem:s29+$0xFFFFFFE0];
	v23 =	vshll.u32 v23, $0x4  }
0x64: {  	v29 =	vld [tilespmem:s29+$0x20];
	v24 =	vshll.u32 v24, $0x4;
	v23 =	vor.u32 v1, v23  }
0x65: {  	v30 =	vld [tilespmem:s29+$0x10];
	v25 =	vshll.u32 v25, $0x4;
	v24 =	vor.u32 v1, v24  }
0x66: {  	v31 =	vld [tilespmem:s29+$0x0];
	v26 =	vshll.u32 v26, $0x4;
	v25 =	vor.u32 v1, v25  }
0x67: {  	v32 =	vld [tilespmem:s29+$0xFFFFFFF0];
	v27 =	vshll.u32 v27, $0x4;
	v26 =	vor.u32 v1, v26  }
0x68: {  	v61 =	vld [tilespmem:s29+$0xFFFFFF90];
	v62 =	vshll.u32 v33, $0x4;
	v27 =	vor.u32 v1, v27  }
0x69: {  	v60 =	vshll.u32 v29, $0x4;
	v22 =	vshll.u32 v22, $0x4;
	v29 =	vor.u32 v1, v62;
	[tilespmem:v23+s18+$0x0] =	vst.idx.add.s32.msk $0xffff, v2  }
0x6a: {  	v28 =	vshll.u32 v28, $0x4;
	v22 =	vor.u32 v1, v22;
	[tilespmem:v24+s18+$0x0] =	vst.idx.add.s32.msk $0xffff, v2  }
0x6b: {  	v20 =	vshll.u32 v20, $0x4;
	v23 =	vor.u32 v1, v28;
	[tilespmem:v25+s18+$0x0] =	vst.idx.add.s32.msk $0xffff, v2  }
0x6c: {  	v19 =	vshll.u32 v19, $0x4;
	v20 =	vor.u32 v1, v20;
	[tilespmem:v26+s18+$0x0] =	vst.idx.add.s32.msk $0xffff, v2  }
0x6d: {  	v58 =	vshll.u32 v30, $0x4;
	v63 =	vor.u32 v1, v19;
	[tilespmem:v27+s18+$0x0] =	vst.idx.add.s32.msk $0xffff, v2  }
0x6e: {  	v59 =	vshll.u32 v31, $0x4;
	v28 =	vor.u32 v1, v58;
	[tilespmem:v29+s18+$0x0] =	vst.idx.add.s32.msk $0xffff, v2  }
0x6f: {  	v24 =	vor.u32 v1, v59;
	[tilespmem:v22+s18+$0x0] =	vst.idx.add.s32.msk $0xffff, v2  }
0x70: {  	v25 =	vor.u32 v1, v60;
	[tilespmem:v23+s18+$0x0] =	vst.idx.add.s32.msk $0xffff, v2;
	v23 =	vshll.u32 v32, $0x4  }
0x71: {  	v19 =	vshll.u32 v21, $0x4;
	v21 =	vshll.u32 v61, $0x4;
	[tilespmem:v20+s18+$0x0] =	vst.idx.add.s32.msk $0xffff, v2;
	v23 =	vor.u32 v1, v23  }
0x72: {  	v20 =	vor.u32 v1, v21;
	[tilespmem:v63+s18+$0x0] =	vst.idx.add.s32.msk $0xffff, v2  }
0x73: {  	v19 =	vor.u32 v1, v19;
	[tilespmem:v28+s18+$0x0] =	vst.idx.add.s32.msk $0xffff, v2  }
0x74: {  	[tilespmem:v24+s18+$0x0] =	vst.idx.add.s32.msk $0xffff, v2  }
0x75: {  	[tilespmem:v25+s18+$0x0] =	vst.idx.add.s32.msk $0xffff, v2  }
0x76: {  	s30 =	simm.s32 $0x0;
	[tilespmem:v23+s18+$0x0] =	vst.idx.add.s32.msk $0xffff, v2  }
.LBB2_5:
0x77: {  	s30 =	sadd.s32 $0x10, s30;
	[tilespmem:v20+s18+$0x0] =	vst.idx.add.s32.msk $0xffff, v2;
	s29 =	sadd.s32 $0x100, s29  }
0x78: {  	p0 =	slt.u32 s30, $0x1F0;
	[tilespmem:v19+s18+$0x0] =	vst.idx.add.s32.msk $0xffff, v2  }
0x79: {  	v20 =	vld [tilespmem:s29+$0xFFFFFFA0]  }
0x7a: {  	v19 =	vld [tilespmem:s29+$0xFFFFFFB0]  }
0x7b: {  	v21 =	vld [tilespmem:s29+$0xFFFFFFC0]  }
0x7c: {  	v22 =	vld [tilespmem:s29+$0xFFFFFFD0]  }
0x7d: {  	v23 =	vld [tilespmem:s29+$0xFFFFFF80]  }
0x7e: {  	v24 =	vld [tilespmem:s29+$0x70]  }
0x7f: {  	v25 =	vld [tilespmem:s29+$0x60]  }
0x80: {  	v26 =	vld [tilespmem:s29+$0x50]  }
0x81: {  	v27 =	vld [tilespmem:s29+$0x40]  }
0x82: {  	v23 =	vshll.u32 v23, $0x4;
	v28 =	vld [tilespmem:s29+$0x30]  }
0x83: {  	v23 =	vor.u32 v1, v23;
	v29 =	vld [tilespmem:s29+$0x20];
	v24 =	vshll.u32 v24, $0x4  }
0x84: {  	v30 =	vld [tilespmem:s29+$0x10];
	v25 =	vshll.u32 v25, $0x4;
	v24 =	vor.u32 v1, v24  }
0x85: {  	v31 =	vld [tilespmem:s29+$0x0];
	v26 =	vshll.u32 v26, $0x4;
	v25 =	vor.u32 v1, v25  }
0x86: {  	v32 =	vld [tilespmem:s29+$0xFFFFFFF0];
	v27 =	vshll.u32 v27, $0x4;
	v26 =	vor.u32 v1, v26  }
0x87: {  	v33 =	vld [tilespmem:s29+$0xFFFFFFE0];
	v28 =	vshll.u32 v28, $0x4  }
0x88: {  	[tilespmem:v23+s18+$0x0] =	vst.idx.add.s32.msk $0xffff, v2;
	v23 =	vshll.u32 v29, $0x4;
	v28 =	vor.u32 v1, v28  }
0x89: {  	v27 =	vor.u32 v1, v27;
	v29 =	vshll.u32 v30, $0x4;
	v23 =	vor.u32 v1, v23;
	[tilespmem:v24+s18+$0x0] =	vst.idx.add.s32.msk $0xffff, v2  }
0x8a: {  	v24 =	vshll.u32 v31, $0x4;
	v29 =	vor.u32 v1, v29;
	[tilespmem:v25+s18+$0x0] =	vst.idx.add.s32.msk $0xffff, v2  }
0x8b: {  	v25 =	vshll.u32 v32, $0x4;
	v24 =	vor.u32 v1, v24;
	[tilespmem:v26+s18+$0x0] =	vst.idx.add.s32.msk $0xffff, v2  }
0x8c: {  	v26 =	vld [tilespmem:s29+$0xFFFFFF90];
	v30 =	vshll.u32 v33, $0x4;
	v25 =	vor.u32 v1, v25  }
0x8d: {  	v22 =	vshll.u32 v22, $0x4;
	v30 =	vor.u32 v1, v30;
	[tilespmem:v28+s18+$0x0] =	vst.idx.add.s32.msk $0xffff, v2  }
0x8e: {  	v21 =	vshll.u32 v21, $0x4;
	v22 =	vor.u32 v1, v22;
	[tilespmem:v27+s18+$0x0] =	vst.idx.add.s32.msk $0xffff, v2  }
0x8f: {  	v27 =	vshll.u32 v19, $0x4;
	v19 =	vor.u32 v1, v21;
	[tilespmem:v29+s18+$0x0] =	vst.idx.add.s32.msk $0xffff, v2  }
0x90: {  	v20 =	vshll.u32 v20, $0x4;
	v21 =	vor.u32 v1, v27;
	[tilespmem:v24+s18+$0x0] =	vst.idx.add.s32.msk $0xffff, v2  }
0x91: {  	v24 =	vshll.u32 v26, $0x4;
	v26 =	vor.u32 v1, v20;
	[tilespmem:v23+s18+$0x0] =	vst.idx.add.s32.msk $0xffff, v2  }
.Ltmp1:
0x92: {  	v20 =	vor.u32 v1, v24;
	[tilespmem:v30+s18+$0x0] =	vst.idx.add.s32.msk $0xffff, v2;
	(pc) =	sbr.rel @p0 .LBB2_5-.Ltmp1, $4  }
0x93: {  	[tilespmem:v22+s18+$0x0] =	vst.idx.add.s32.msk $0xffff, v2  }
0x94: {  	[tilespmem:v25+s18+$0x0] =	vst.idx.add.s32.msk $0xffff, v2  }
0x95: {  	[tilespmem:v21+s18+$0x0] =	vst.idx.add.s32.msk $0xffff, v2  }
0x96: {  	[tilespmem:v26+s18+$0x0] =	vst.idx.add.s32.msk $0xffff, v2  }
0x97: {  	_ =	sdelay $0x1  }
0x98: {  	s29 =	sshll.u32 s28, $0xF;
	p0 =	seq.s32 s28, $0xF  }
0x99: {  	s30 =	sadd.s32 @!p0 s29, s8  }
0x9a: {  	[tilespmem:v20+s18+$0x0] =	vst.idx.add.s32.msk $0xffff, v2;
	s30 =	sshrl.u32 @!p0 s30, $0x3  }
0x9b: {  	[tilespmem:v19+s18+$0x0] =	vst.idx.add.s32.msk $0xffff, v2;
	s31 =	simm.s32 @!p0 $0x0;
	s30 =	sadd.s32 @!p0 s0, s30  }
0x9c: {  	[tilespmem:s31], [sflag:$0x1] =	stream.linear.gather @!p0 [hbm4b:s30+s31], $0x2000, $0x38;
	[tilespmem:$0x1D400] =	vst v63  }
0x9d: {  	_ =	swait.ge [sflag:s19], $0x2000  }
0x9e: {  	[sflag:s19] =	ssyncset.done $0x0  }
0x9f: {  	s30 =	simm.s32 $0x2080;
	[sflag:s19] =	ssyncadd.s32 $0xFFFFE000  }
0xa0: {  	v19 =	vld [tilespmem:s30+$0xFFFFFFA0]  }
0xa1: {  	v20 =	vld [tilespmem:s30+$0xFFFFFFB0]  }
0xa2: {  	v21 =	vld [tilespmem:s30+$0xFFFFFFC0]  }
0xa3: {  	v22 =	vld [tilespmem:s30+$0xFFFFFFD0]  }
0xa4: {  	v23 =	vld [tilespmem:s30+$0xFFFFFF80]  }
0xa5: {  	v24 =	vld [tilespmem:s30+$0x70]  }
0xa6: {  	v25 =	vld [tilespmem:s30+$0x60]  }
0xa7: {  	v26 =	vld [tilespmem:s30+$0x50]  }
0xa8: {  	v27 =	vld [tilespmem:s30+$0x40]  }
0xa9: {  	v28 =	vld [tilespmem:s30+$0x30]  }
0xaa: {  	v33 =	vld [tilespmem:s30+$0xFFFFFFE0];
	v23 =	vshll.u32 v23, $0x4  }
0xab: {  	v29 =	vld [tilespmem:s30+$0x20];
	v24 =	vshll.u32 v24, $0x4;
	v23 =	vor.u32 v1, v23  }
0xac: {  	v30 =	vld [tilespmem:s30+$0x10];
	v25 =	vshll.u32 v25, $0x4;
	v24 =	vor.u32 v1, v24  }
0xad: {  	v31 =	vld [tilespmem:s30+$0x0];
	v26 =	vshll.u32 v26, $0x4;
	v25 =	vor.u32 v1, v25  }
0xae: {  	v32 =	vld [tilespmem:s30+$0xFFFFFFF0];
	v27 =	vshll.u32 v27, $0x4;
	v26 =	vor.u32 v1, v26  }
0xaf: {  	v61 =	vld [tilespmem:s30+$0xFFFFFF90];
	v62 =	vshll.u32 v33, $0x4;
	v27 =	vor.u32 v1, v27  }
0xb0: {  	v60 =	vshll.u32 v29, $0x4;
	v22 =	vshll.u32 v22, $0x4;
	v29 =	vor.u32 v1, v62;
	[tilespmem:v23+s18+$0x0] =	vst.idx.add.s32.msk $0xffff, v2  }
0xb1: {  	v28 =	vshll.u32 v28, $0x4;
	v22 =	vor.u32 v1, v22;
	[tilespmem:v24+s18+$0x0] =	vst.idx.add.s32.msk $0xffff, v2  }
0xb2: {  	v20 =	vshll.u32 v20, $0x4;
	v23 =	vor.u32 v1, v28;
	[tilespmem:v25+s18+$0x0] =	vst.idx.add.s32.msk $0xffff, v2  }
0xb3: {  	v19 =	vshll.u32 v19, $0x4;
	v20 =	vor.u32 v1, v20;
	[tilespmem:v26+s18+$0x0] =	vst.idx.add.s32.msk $0xffff, v2  }
0xb4: {  	v58 =	vshll.u32 v30, $0x4;
	v63 =	vor.u32 v1, v19;
	[tilespmem:v27+s18+$0x0] =	vst.idx.add.s32.msk $0xffff, v2  }
0xb5: {  	v59 =	vshll.u32 v31, $0x4;
	v28 =	vor.u32 v1, v58;
	[tilespmem:v29+s18+$0x0] =	vst.idx.add.s32.msk $0xffff, v2  }
0xb6: {  	v24 =	vor.u32 v1, v59;
	[tilespmem:v22+s18+$0x0] =	vst.idx.add.s32.msk $0xffff, v2  }
0xb7: {  	v25 =	vor.u32 v1, v60;
	[tilespmem:v23+s18+$0x0] =	vst.idx.add.s32.msk $0xffff, v2;
	v23 =	vshll.u32 v32, $0x4  }
0xb8: {  	v19 =	vshll.u32 v21, $0x4;
	v21 =	vshll.u32 v61, $0x4;
	[tilespmem:v20+s18+$0x0] =	vst.idx.add.s32.msk $0xffff, v2;
	v23 =	vor.u32 v1, v23  }
0xb9: {  	v20 =	vor.u32 v1, v21;
	[tilespmem:v63+s18+$0x0] =	vst.idx.add.s32.msk $0xffff, v2  }
0xba: {  	v19 =	vor.u32 v1, v19;
	[tilespmem:v28+s18+$0x0] =	vst.idx.add.s32.msk $0xffff, v2  }
0xbb: {  	[tilespmem:v24+s18+$0x0] =	vst.idx.add.s32.msk $0xffff, v2  }
0xbc: {  	[tilespmem:v25+s18+$0x0] =	vst.idx.add.s32.msk $0xffff, v2  }
0xbd: {  	s31 =	simm.s32 $0x0;
	[tilespmem:v23+s18+$0x0] =	vst.idx.add.s32.msk $0xffff, v2  }
.LBB2_7:
0xbe: {  	s31 =	sadd.s32 $0x10, s31;
	[tilespmem:v20+s18+$0x0] =	vst.idx.add.s32.msk $0xffff, v2;
	s30 =	sadd.s32 $0x100, s30  }
0xbf: {  	p1 =	slt.u32 s31, $0x1F0;
	[tilespmem:v19+s18+$0x0] =	vst.idx.add.s32.msk $0xffff, v2  }
0xc0: {  	v20 =	vld [tilespmem:s30+$0xFFFFFFA0]  }
0xc1: {  	v19 =	vld [tilespmem:s30+$0xFFFFFFB0]  }
0xc2: {  	v21 =	vld [tilespmem:s30+$0xFFFFFFC0]  }
0xc3: {  	v22 =	vld [tilespmem:s30+$0xFFFFFFD0]  }
0xc4: {  	v23 =	vld [tilespmem:s30+$0xFFFFFF80]  }
0xc5: {  	v24 =	vld [tilespmem:s30+$0x70]  }
0xc6: {  	v25 =	vld [tilespmem:s30+$0x60]  }
0xc7: {  	v26 =	vld [tilespmem:s30+$0x50]  }
0xc8: {  	v27 =	vld [tilespmem:s30+$0x40]  }
0xc9: {  	v23 =	vshll.u32 v23, $0x4;
	v28 =	vld [tilespmem:s30+$0x30]  }
0xca: {  	v23 =	vor.u32 v1, v23;
	v29 =	vld [tilespmem:s30+$0x20];
	v24 =	vshll.u32 v24, $0x4  }
0xcb: {  	v30 =	vld [tilespmem:s30+$0x10];
	v25 =	vshll.u32 v25, $0x4;
	v24 =	vor.u32 v1, v24  }
0xcc: {  	v31 =	vld [tilespmem:s30+$0x0];
	v26 =	vshll.u32 v26, $0x4;
	v25 =	vor.u32 v1, v25  }
0xcd: {  	v32 =	vld [tilespmem:s30+$0xFFFFFFF0];
	v27 =	vshll.u32 v27, $0x4;
	v26 =	vor.u32 v1, v26  }
0xce: {  	v33 =	vld [tilespmem:s30+$0xFFFFFFE0];
	v28 =	vshll.u32 v28, $0x4  }
0xcf: {  	[tilespmem:v23+s18+$0x0] =	vst.idx.add.s32.msk $0xffff, v2;
	v23 =	vshll.u32 v29, $0x4;
	v28 =	vor.u32 v1, v28  }
0xd0: {  	v27 =	vor.u32 v1, v27;
	v29 =	vshll.u32 v30, $0x4;
	v23 =	vor.u32 v1, v23;
	[tilespmem:v24+s18+$0x0] =	vst.idx.add.s32.msk $0xffff, v2  }
0xd1: {  	v24 =	vshll.u32 v31, $0x4;
	v29 =	vor.u32 v1, v29;
	[tilespmem:v25+s18+$0x0] =	vst.idx.add.s32.msk $0xffff, v2  }
0xd2: {  	v25 =	vshll.u32 v32, $0x4;
	v24 =	vor.u32 v1, v24;
	[tilespmem:v26+s18+$0x0] =	vst.idx.add.s32.msk $0xffff, v2  }
0xd3: {  	v26 =	vld [tilespmem:s30+$0xFFFFFF90];
	v30 =	vshll.u32 v33, $0x4;
	v25 =	vor.u32 v1, v25  }
0xd4: {  	v22 =	vshll.u32 v22, $0x4;
	v30 =	vor.u32 v1, v30;
	[tilespmem:v28+s18+$0x0] =	vst.idx.add.s32.msk $0xffff, v2  }
0xd5: {  	v21 =	vshll.u32 v21, $0x4;
	v22 =	vor.u32 v1, v22;
	[tilespmem:v27+s18+$0x0] =	vst.idx.add.s32.msk $0xffff, v2  }
0xd6: {  	v27 =	vshll.u32 v19, $0x4;
	v19 =	vor.u32 v1, v21;
	[tilespmem:v29+s18+$0x0] =	vst.idx.add.s32.msk $0xffff, v2  }
0xd7: {  	v20 =	vshll.u32 v20, $0x4;
	v21 =	vor.u32 v1, v27;
	[tilespmem:v24+s18+$0x0] =	vst.idx.add.s32.msk $0xffff, v2  }
0xd8: {  	v24 =	vshll.u32 v26, $0x4;
	v26 =	vor.u32 v1, v20;
	[tilespmem:v23+s18+$0x0] =	vst.idx.add.s32.msk $0xffff, v2  }
.Ltmp2:
0xd9: {  	v20 =	vor.u32 v1, v24;
	[tilespmem:v30+s18+$0x0] =	vst.idx.add.s32.msk $0xffff, v2;
	(pc) =	sbr.rel @p1 .LBB2_7-.Ltmp2, $4  }
0xda: {  	[tilespmem:v22+s18+$0x0] =	vst.idx.add.s32.msk $0xffff, v2  }
0xdb: {  	[tilespmem:v25+s18+$0x0] =	vst.idx.add.s32.msk $0xffff, v2  }
0xdc: {  	[tilespmem:v21+s18+$0x0] =	vst.idx.add.s32.msk $0xffff, v2  }
0xdd: {  	[tilespmem:v26+s18+$0x0] =	vst.idx.add.s32.msk $0xffff, v2  }
0xde: {  	_ =	sdelay $0x2  }
0xdf: {  	s30 =	sadd.s32 @!p0 s29, s9  }
0xe0: {  	[tilespmem:v20+s18+$0x0] =	vst.idx.add.s32.msk $0xffff, v2;
	s30 =	sshrl.u32 @!p0 s30, $0x3  }
0xe1: {  	[tilespmem:v19+s18+$0x0] =	vst.idx.add.s32.msk $0xffff, v2;
	s31 =	simm.s32 @!p0 $0x0;
	s1 =	simm.s32 @!p0 $0x2000;
	s30 =	sadd.s32 @!p0 s0, s30  }
0xe2: {  	[tilespmem:s1], [sflag:$0x2] =	stream.linear.gather @!p0 [hbm4b:s30+s31], $0x2000, $0x38;
	[tilespmem:$0x1D400] =	vst v63  }
0xe3: {  	_ =	swait.ge [sflag:s20], $0x2000  }
0xe4: {  	[sflag:s20] =	ssyncset.done $0x0  }
0xe5: {  	s30 =	simm.s32 $0x4080;
	[sflag:s20] =	ssyncadd.s32 $0xFFFFE000  }
0xe6: {  	v19 =	vld [tilespmem:s30+$0xFFFFFFA0]  }
0xe7: {  	v20 =	vld [tilespmem:s30+$0xFFFFFFB0]  }
0xe8: {  	v21 =	vld [tilespmem:s30+$0xFFFFFFC0]  }
0xe9: {  	v22 =	vld [tilespmem:s30+$0xFFFFFFD0]  }
0xea: {  	v23 =	vld [tilespmem:s30+$0xFFFFFF80]  }
0xeb: {  	v24 =	vld [tilespmem:s30+$0x70]  }
0xec: {  	v25 =	vld [tilespmem:s30+$0x60]  }
0xed: {  	v26 =	vld [tilespmem:s30+$0x50]  }
0xee: {  	v27 =	vld [tilespmem:s30+$0x40]  }
0xef: {  	v28 =	vld [tilespmem:s30+$0x30]  }
0xf0: {  	v33 =	vld [tilespmem:s30+$0xFFFFFFE0];
	v23 =	vshll.u32 v23, $0x4  }
0xf1: {  	v29 =	vld [tilespmem:s30+$0x20];
	v24 =	vshll.u32 v24, $0x4;
	v23 =	vor.u32 v1, v23  }
0xf2: {  	v30 =	vld [tilespmem:s30+$0x10];
	v25 =	vshll.u32 v25, $0x4;
	v24 =	vor.u32 v1, v24  }
0xf3: {  	v31 =	vld [tilespmem:s30+$0x0];
	v26 =	vshll.u32 v26, $0x4;
	v25 =	vor.u32 v1, v25  }
0xf4: {  	v32 =	vld [tilespmem:s30+$0xFFFFFFF0];
	v27 =	vshll.u32 v27, $0x4;
	v26 =	vor.u32 v1, v26  }
0xf5: {  	v61 =	vld [tilespmem:s30+$0xFFFFFF90];
	v62 =	vshll.u32 v33, $0x4;
	v27 =	vor.u32 v1, v27  }
0xf6: {  	v60 =	vshll.u32 v29, $0x4;
	v22 =	vshll.u32 v22, $0x4;
	v29 =	vor.u32 v1, v62;
	[tilespmem:v23+s18+$0x0] =	vst.idx.add.s32.msk $0xffff, v2  }
0xf7: {  	v28 =	vshll.u32 v28, $0x4;
	v22 =	vor.u32 v1, v22;
	[tilespmem:v24+s18+$0x0] =	vst.idx.add.s32.msk $0xffff, v2  }
0xf8: {  	v20 =	vshll.u32 v20, $0x4;
	v23 =	vor.u32 v1, v28;
	[tilespmem:v25+s18+$0x0] =	vst.idx.add.s32.msk $0xffff, v2  }
0xf9: {  	v19 =	vshll.u32 v19, $0x4;
	v20 =	vor.u32 v1, v20;
	[tilespmem:v26+s18+$0x0] =	vst.idx.add.s32.msk $0xffff, v2  }
0xfa: {  	v58 =	vshll.u32 v30, $0x4;
	v63 =	vor.u32 v1, v19;
	[tilespmem:v27+s18+$0x0] =	vst.idx.add.s32.msk $0xffff, v2  }
0xfb: {  	v59 =	vshll.u32 v31, $0x4;
	v28 =	vor.u32 v1, v58;
	[tilespmem:v29+s18+$0x0] =	vst.idx.add.s32.msk $0xffff, v2  }
0xfc: {  	v24 =	vor.u32 v1, v59;
	[tilespmem:v22+s18+$0x0] =	vst.idx.add.s32.msk $0xffff, v2  }
0xfd: {  	v25 =	vor.u32 v1, v60;
	[tilespmem:v23+s18+$0x0] =	vst.idx.add.s32.msk $0xffff, v2;
	v23 =	vshll.u32 v32, $0x4  }
0xfe: {  	v19 =	vshll.u32 v21, $0x4;
	v21 =	vshll.u32 v61, $0x4;
	[tilespmem:v20+s18+$0x0] =	vst.idx.add.s32.msk $0xffff, v2;
	v23 =	vor.u32 v1, v23  }
0xff: {  	v20 =	vor.u32 v1, v21;
	[tilespmem:v63+s18+$0x0] =	vst.idx.add.s32.msk $0xffff, v2  }
0x100: {  	v19 =	vor.u32 v1, v19;
	[tilespmem:v28+s18+$0x0] =	vst.idx.add.s32.msk $0xffff, v2  }
0x101: {  	[tilespmem:v24+s18+$0x0] =	vst.idx.add.s32.msk $0xffff, v2  }
0x102: {  	[tilespmem:v25+s18+$0x0] =	vst.idx.add.s32.msk $0xffff, v2  }
0x103: {  	s31 =	simm.s32 $0x0;
	[tilespmem:v23+s18+$0x0] =	vst.idx.add.s32.msk $0xffff, v2  }
.LBB2_9:
0x104: {  	s31 =	sadd.s32 $0x10, s31;
	[tilespmem:v20+s18+$0x0] =	vst.idx.add.s32.msk $0xffff, v2;
	s30 =	sadd.s32 $0x100, s30  }
0x105: {  	p1 =	slt.u32 s31, $0x1F0;
	[tilespmem:v19+s18+$0x0] =	vst.idx.add.s32.msk $0xffff, v2  }
0x106: {  	v20 =	vld [tilespmem:s30+$0xFFFFFFA0]  }
0x107: {  	v19 =	vld [tilespmem:s30+$0xFFFFFFB0]  }
0x108: {  	v21 =	vld [tilespmem:s30+$0xFFFFFFC0]  }
0x109: {  	v22 =	vld [tilespmem:s30+$0xFFFFFFD0]  }
0x10a: {  	v23 =	vld [tilespmem:s30+$0xFFFFFF80]  }
0x10b: {  	v24 =	vld [tilespmem:s30+$0x70]  }
0x10c: {  	v25 =	vld [tilespmem:s30+$0x60]  }
0x10d: {  	v26 =	vld [tilespmem:s30+$0x50]  }
0x10e: {  	v27 =	vld [tilespmem:s30+$0x40]  }
0x10f: {  	v23 =	vshll.u32 v23, $0x4;
	v28 =	vld [tilespmem:s30+$0x30]  }
0x110: {  	v23 =	vor.u32 v1, v23;
	v29 =	vld [tilespmem:s30+$0x20];
	v24 =	vshll.u32 v24, $0x4  }
0x111: {  	v30 =	vld [tilespmem:s30+$0x10];
	v25 =	vshll.u32 v25, $0x4;
	v24 =	vor.u32 v1, v24  }
0x112: {  	v31 =	vld [tilespmem:s30+$0x0];
	v26 =	vshll.u32 v26, $0x4;
	v25 =	vor.u32 v1, v25  }
0x113: {  	v32 =	vld [tilespmem:s30+$0xFFFFFFF0];
	v27 =	vshll.u32 v27, $0x4;
	v26 =	vor.u32 v1, v26  }
0x114: {  	v33 =	vld [tilespmem:s30+$0xFFFFFFE0];
	v28 =	vshll.u32 v28, $0x4  }
0x115: {  	[tilespmem:v23+s18+$0x0] =	vst.idx.add.s32.msk $0xffff, v2;
	v23 =	vshll.u32 v29, $0x4;
	v28 =	vor.u32 v1, v28  }
0x116: {  	v27 =	vor.u32 v1, v27;
	v29 =	vshll.u32 v30, $0x4;
	v23 =	vor.u32 v1, v23;
	[tilespmem:v24+s18+$0x0] =	vst.idx.add.s32.msk $0xffff, v2  }
0x117: {  	v24 =	vshll.u32 v31, $0x4;
	v29 =	vor.u32 v1, v29;
	[tilespmem:v25+s18+$0x0] =	vst.idx.add.s32.msk $0xffff, v2  }
0x118: {  	v25 =	vshll.u32 v32, $0x4;
	v24 =	vor.u32 v1, v24;
	[tilespmem:v26+s18+$0x0] =	vst.idx.add.s32.msk $0xffff, v2  }
0x119: {  	v26 =	vld [tilespmem:s30+$0xFFFFFF90];
	v30 =	vshll.u32 v33, $0x4;
	v25 =	vor.u32 v1, v25  }
0x11a: {  	v22 =	vshll.u32 v22, $0x4;
	v30 =	vor.u32 v1, v30;
	[tilespmem:v28+s18+$0x0] =	vst.idx.add.s32.msk $0xffff, v2  }
0x11b: {  	v21 =	vshll.u32 v21, $0x4;
	v22 =	vor.u32 v1, v22;
	[tilespmem:v27+s18+$0x0] =	vst.idx.add.s32.msk $0xffff, v2  }
0x11c: {  	v27 =	vshll.u32 v19, $0x4;
	v19 =	vor.u32 v1, v21;
	[tilespmem:v29+s18+$0x0] =	vst.idx.add.s32.msk $0xffff, v2  }
0x11d: {  	v20 =	vshll.u32 v20, $0x4;
	v21 =	vor.u32 v1, v27;
	[tilespmem:v24+s18+$0x0] =	vst.idx.add.s32.msk $0xffff, v2  }
0x11e: {  	v24 =	vshll.u32 v26, $0x4;
	v26 =	vor.u32 v1, v20;
	[tilespmem:v23+s18+$0x0] =	vst.idx.add.s32.msk $0xffff, v2  }
.Ltmp3:
0x11f: {  	v20 =	vor.u32 v1, v24;
	[tilespmem:v30+s18+$0x0] =	vst.idx.add.s32.msk $0xffff, v2;
	(pc) =	sbr.rel @p1 .LBB2_9-.Ltmp3, $4  }
0x120: {  	[tilespmem:v22+s18+$0x0] =	vst.idx.add.s32.msk $0xffff, v2  }
0x121: {  	[tilespmem:v25+s18+$0x0] =	vst.idx.add.s32.msk $0xffff, v2  }
0x122: {  	[tilespmem:v21+s18+$0x0] =	vst.idx.add.s32.msk $0xffff, v2  }
0x123: {  	[tilespmem:v26+s18+$0x0] =	vst.idx.add.s32.msk $0xffff, v2  }
0x124: {  	_ =	sdelay $0x2  }
0x125: {  	s1 =	sadd.s32 @!p0 s29, s10  }
0x126: {  	[tilespmem:v20+s18+$0x0] =	vst.idx.add.s32.msk $0xffff, v2;
	s1 =	sshrl.u32 @!p0 s1, $0x3  }
0x127: {  	[tilespmem:v19+s18+$0x0] =	vst.idx.add.s32.msk $0xffff, v2;
	s30 =	simm.s32 @!p0 $0x0;
	s31 =	simm.s32 @!p0 $0x4000;
	s1 =	sadd.s32 @!p0 s0, s1  }
0x128: {  	[tilespmem:s31], [sflag:$0x3] =	stream.linear.gather @!p0 [hbm4b:s1+s30], $0x2000, $0x38;
	[tilespmem:$0x1D400] =	vst v63  }
0x129: {  	_ =	swait.ge [sflag:s21], $0x2000  }
0x12a: {  	[sflag:s21] =	ssyncset.done $0x0  }
0x12b: {  	s30 =	simm.s32 $0x6080;
	[sflag:s21] =	ssyncadd.s32 $0xFFFFE000  }
0x12c: {  	v19 =	vld [tilespmem:s30+$0xFFFFFFA0]  }
0x12d: {  	v20 =	vld [tilespmem:s30+$0xFFFFFFB0]  }
0x12e: {  	v21 =	vld [tilespmem:s30+$0xFFFFFFC0]  }
0x12f: {  	v22 =	vld [tilespmem:s30+$0xFFFFFFD0]  }
0x130: {  	v23 =	vld [tilespmem:s30+$0xFFFFFF80]  }
0x131: {  	v24 =	vld [tilespmem:s30+$0x70]  }
0x132: {  	v25 =	vld [tilespmem:s30+$0x60]  }
0x133: {  	v26 =	vld [tilespmem:s30+$0x50]  }
0x134: {  	v27 =	vld [tilespmem:s30+$0x40]  }
0x135: {  	v28 =	vld [tilespmem:s30+$0x30]  }
0x136: {  	v33 =	vld [tilespmem:s30+$0xFFFFFFE0];
	v23 =	vshll.u32 v23, $0x4  }
0x137: {  	v29 =	vld [tilespmem:s30+$0x20];
	v24 =	vshll.u32 v24, $0x4;
	v23 =	vor.u32 v1, v23  }
0x138: {  	v30 =	vld [tilespmem:s30+$0x10];
	v25 =	vshll.u32 v25, $0x4;
	v24 =	vor.u32 v1, v24  }
0x139: {  	v31 =	vld [tilespmem:s30+$0x0];
	v26 =	vshll.u32 v26, $0x4;
	v25 =	vor.u32 v1, v25  }
0x13a: {  	v32 =	vld [tilespmem:s30+$0xFFFFFFF0];
	v27 =	vshll.u32 v27, $0x4;
	v26 =	vor.u32 v1, v26  }
0x13b: {  	v61 =	vld [tilespmem:s30+$0xFFFFFF90];
	v62 =	vshll.u32 v33, $0x4;
	v27 =	vor.u32 v1, v27  }
0x13c: {  	v60 =	vshll.u32 v29, $0x4;
	v22 =	vshll.u32 v22, $0x4;
	v29 =	vor.u32 v1, v62;
	[tilespmem:v23+s18+$0x0] =	vst.idx.add.s32.msk $0xffff, v2  }
0x13d: {  	v28 =	vshll.u32 v28, $0x4;
	v22 =	vor.u32 v1, v22;
	[tilespmem:v24+s18+$0x0] =	vst.idx.add.s32.msk $0xffff, v2  }
0x13e: {  	v20 =	vshll.u32 v20, $0x4;
	v23 =	vor.u32 v1, v28;
	[tilespmem:v25+s18+$0x0] =	vst.idx.add.s32.msk $0xffff, v2  }
0x13f: {  	v19 =	vshll.u32 v19, $0x4;
	v20 =	vor.u32 v1, v20;
	[tilespmem:v26+s18+$0x0] =	vst.idx.add.s32.msk $0xffff, v2  }
0x140: {  	v58 =	vshll.u32 v30, $0x4;
	v63 =	vor.u32 v1, v19;
	[tilespmem:v27+s18+$0x0] =	vst.idx.add.s32.msk $0xffff, v2  }
0x141: {  	v59 =	vshll.u32 v31, $0x4;
	v28 =	vor.u32 v1, v58;
	[tilespmem:v29+s18+$0x0] =	vst.idx.add.s32.msk $0xffff, v2  }
0x142: {  	v24 =	vor.u32 v1, v59;
	[tilespmem:v22+s18+$0x0] =	vst.idx.add.s32.msk $0xffff, v2  }
0x143: {  	v25 =	vor.u32 v1, v60;
	[tilespmem:v23+s18+$0x0] =	vst.idx.add.s32.msk $0xffff, v2;
	v23 =	vshll.u32 v32, $0x4  }
0x144: {  	v19 =	vshll.u32 v21, $0x4;
	v21 =	vshll.u32 v61, $0x4;
	[tilespmem:v20+s18+$0x0] =	vst.idx.add.s32.msk $0xffff, v2;
	v23 =	vor.u32 v1, v23  }
0x145: {  	v20 =	vor.u32 v1, v21;
	[tilespmem:v63+s18+$0x0] =	vst.idx.add.s32.msk $0xffff, v2  }
0x146: {  	v19 =	vor.u32 v1, v19;
	[tilespmem:v28+s18+$0x0] =	vst.idx.add.s32.msk $0xffff, v2  }
0x147: {  	[tilespmem:v24+s18+$0x0] =	vst.idx.add.s32.msk $0xffff, v2  }
0x148: {  	[tilespmem:v25+s18+$0x0] =	vst.idx.add.s32.msk $0xffff, v2  }
0x149: {  	s31 =	simm.s32 $0x0;
	[tilespmem:v23+s18+$0x0] =	vst.idx.add.s32.msk $0xffff, v2  }
.LBB2_11:
0x14a: {  	s31 =	sadd.s32 $0x10, s31;
	[tilespmem:v20+s18+$0x0] =	vst.idx.add.s32.msk $0xffff, v2;
	s30 =	sadd.s32 $0x100, s30  }
0x14b: {  	p1 =	slt.u32 s31, $0x1F0;
	[tilespmem:v19+s18+$0x0] =	vst.idx.add.s32.msk $0xffff, v2  }
0x14c: {  	v20 =	vld [tilespmem:s30+$0xFFFFFFA0]  }
0x14d: {  	v19 =	vld [tilespmem:s30+$0xFFFFFFB0]  }
0x14e: {  	v21 =	vld [tilespmem:s30+$0xFFFFFFC0]  }
0x14f: {  	v22 =	vld [tilespmem:s30+$0xFFFFFFD0]  }
0x150: {  	v23 =	vld [tilespmem:s30+$0xFFFFFF80]  }
0x151: {  	v24 =	vld [tilespmem:s30+$0x70]  }
0x152: {  	v25 =	vld [tilespmem:s30+$0x60]  }
0x153: {  	v26 =	vld [tilespmem:s30+$0x50]  }
0x154: {  	v27 =	vld [tilespmem:s30+$0x40]  }
0x155: {  	v23 =	vshll.u32 v23, $0x4;
	v28 =	vld [tilespmem:s30+$0x30]  }
0x156: {  	v23 =	vor.u32 v1, v23;
	v29 =	vld [tilespmem:s30+$0x20];
	v24 =	vshll.u32 v24, $0x4  }
0x157: {  	v30 =	vld [tilespmem:s30+$0x10];
	v25 =	vshll.u32 v25, $0x4;
	v24 =	vor.u32 v1, v24  }
0x158: {  	v31 =	vld [tilespmem:s30+$0x0];
	v26 =	vshll.u32 v26, $0x4;
	v25 =	vor.u32 v1, v25  }
0x159: {  	v32 =	vld [tilespmem:s30+$0xFFFFFFF0];
	v27 =	vshll.u32 v27, $0x4;
	v26 =	vor.u32 v1, v26  }
0x15a: {  	v33 =	vld [tilespmem:s30+$0xFFFFFFE0];
	v28 =	vshll.u32 v28, $0x4  }
0x15b: {  	[tilespmem:v23+s18+$0x0] =	vst.idx.add.s32.msk $0xffff, v2;
	v23 =	vshll.u32 v29, $0x4;
	v28 =	vor.u32 v1, v28  }
0x15c: {  	v27 =	vor.u32 v1, v27;
	v29 =	vshll.u32 v30, $0x4;
	v23 =	vor.u32 v1, v23;
	[tilespmem:v24+s18+$0x0] =	vst.idx.add.s32.msk $0xffff, v2  }
0x15d: {  	v24 =	vshll.u32 v31, $0x4;
	v29 =	vor.u32 v1, v29;
	[tilespmem:v25+s18+$0x0] =	vst.idx.add.s32.msk $0xffff, v2  }
0x15e: {  	v25 =	vshll.u32 v32, $0x4;
	v24 =	vor.u32 v1, v24;
	[tilespmem:v26+s18+$0x0] =	vst.idx.add.s32.msk $0xffff, v2  }
0x15f: {  	v26 =	vld [tilespmem:s30+$0xFFFFFF90];
	v30 =	vshll.u32 v33, $0x4;
	v25 =	vor.u32 v1, v25  }
0x160: {  	v22 =	vshll.u32 v22, $0x4;
	v30 =	vor.u32 v1, v30;
	[tilespmem:v28+s18+$0x0] =	vst.idx.add.s32.msk $0xffff, v2  }
0x161: {  	v21 =	vshll.u32 v21, $0x4;
	v22 =	vor.u32 v1, v22;
	[tilespmem:v27+s18+$0x0] =	vst.idx.add.s32.msk $0xffff, v2  }
0x162: {  	v27 =	vshll.u32 v19, $0x4;
	v19 =	vor.u32 v1, v21;
	[tilespmem:v29+s18+$0x0] =	vst.idx.add.s32.msk $0xffff, v2  }
0x163: {  	v20 =	vshll.u32 v20, $0x4;
	v21 =	vor.u32 v1, v27;
	[tilespmem:v24+s18+$0x0] =	vst.idx.add.s32.msk $0xffff, v2  }
0x164: {  	v24 =	vshll.u32 v26, $0x4;
	v26 =	vor.u32 v1, v20;
	[tilespmem:v23+s18+$0x0] =	vst.idx.add.s32.msk $0xffff, v2  }
.Ltmp4:
0x165: {  	v20 =	vor.u32 v1, v24;
	[tilespmem:v30+s18+$0x0] =	vst.idx.add.s32.msk $0xffff, v2;
	(pc) =	sbr.rel @p1 .LBB2_11-.Ltmp4, $4  }
0x166: {  	[tilespmem:v22+s18+$0x0] =	vst.idx.add.s32.msk $0xffff, v2  }
0x167: {  	[tilespmem:v25+s18+$0x0] =	vst.idx.add.s32.msk $0xffff, v2  }
0x168: {  	[tilespmem:v21+s18+$0x0] =	vst.idx.add.s32.msk $0xffff, v2  }
0x169: {  	[tilespmem:v26+s18+$0x0] =	vst.idx.add.s32.msk $0xffff, v2  }
0x16a: {  	_ = 	snop  }
.Ltmp5:
0x16b: {  	_ = 	snop;
	(pc) =	sbr.rel @p0 .LBB2_13-.Ltmp5, $3  }
0x16c: {  	_ =	sdelay $0x1  }
0x16d: {  	[tilespmem:v20+s18+$0x0] =	vst.idx.add.s32.msk $0xffff, v2  }
0x16e: {  	[tilespmem:v19+s18+$0x0] =	vst.idx.add.s32.msk $0xffff, v2  }
.Ltmp6:
0x16f: {  	(pc) =	sbr.rel .LBB2_4-.Ltmp6, $4  }
0x170: {  	s1 =	sadd.s32 s29, s11  }
0x171: {  	s1 =	sshrl.u32 s1, $0x3  }
0x172: {  	s28 =	sadd.s32 $0x1, s28;
	s1 =	sadd.s32 s0, s1  }
0x173: {  	[tilespmem:s16], [sflag:$0x4] =	stream.linear.gather [hbm4b:s1+s2], $0x2000, $0x38;
	[tilespmem:$0x1D400] =	vst v63  }
.LBB2_13:
0x174: {  	s30 =	simm.s32 $0x100  }
0x175: {  	s1 =	simm.s32 $0x0;
	v19 =	vor.u32 s30, v3  }
0x176: {  	v20 =	vor.u32 s1, v3  }
0x177: {  	v21 =	vor.u32 s1, v4  }
0x178: {  	v22 =	vor.u32 s1, v5  }
0x179: {  	v23 =	vor.u32 s1, v6  }
0x17a: {  	v24 =	vor.u32 s1, v7;
	v26 =	vld.idx.msk [tilespmem:v19+s18+$0x0], $0xffff  }
0x17b: {  	v25 =	vor.u32 s1, v9;
	v19 =	vld.idx.msk [tilespmem:v20+s18+$0x0], $0xffff  }
0x17c: {  	v27 =	vor.u32 s1, v10;
	v21 =	vld.idx.msk [tilespmem:v21+s18+$0x0], $0xffff  }
0x17d: {  	v28 =	vor.u32 s1, v11;
	v22 =	vld.idx.msk [tilespmem:v22+s18+$0x0], $0xffff  }
0x17e: {  	v29 =	vor.u32 s1, v12;
	v23 =	vld.idx.msk [tilespmem:v23+s18+$0x0], $0xffff  }
0x17f: {  	v20 =	vor.u32 s1, v8;
	v24 =	vld.idx.msk [tilespmem:v24+s18+$0x0], $0xffff  }
0x180: {  	v30 =	vor.u32 s1, v13;
	v25 =	vld.idx.msk [tilespmem:v25+s18+$0x0], $0xffff  }
0x181: {  	v33 =	vor.u32 s1, v16;
	v27 =	vld.idx.msk [tilespmem:v27+s18+$0x0], $0xffff  }
0x182: {  	v31 =	vor.u32 s1, v14;
	v28 =	vld.idx.msk [tilespmem:v28+s18+$0x0], $0xffff  }
0x183: {  	v34 =	vor.u32 s1, v17;
	v29 =	vld.idx.msk [tilespmem:v29+s18+$0x0], $0xffff  }
0x184: {  	v32 =	vor.u32 s1, v15;
	v20 =	vld.idx.msk [tilespmem:v20+s18+$0x0], $0xffff  }
0x185: {  	v19 =	vadd.s32 v19, v21;
	v21 =	vld.idx.msk [tilespmem:v30+s18+$0x0], $0xffff;
	v30 =	vor.u32 s1, v18  }
0x186: {  	v35 =	vor.u32 s30, v4;
	v33 =	vld.idx.msk [tilespmem:v33+s18+$0x0], $0xffff;
	v19 =	vadd.s32 v22, v19  }
0x187: {  	v22 =	vld.idx.msk [tilespmem:v31+s18+$0x0], $0xffff;
	v31 =	vor.u32 s30, v5;
	v19 =	vadd.s32 v23, v19  }
0x188: {  	v34 =	vld.idx.msk [tilespmem:v34+s18+$0x0], $0xffff;
	v19 =	vadd.s32 v24, v19;
	v24 =	vor.u32 s30, v7  }
0x189: {  	v61 =	vor.u32 s30, v6;
	v23 =	vld.idx.msk [tilespmem:v32+s18+$0x0], $0xffff;
	v19 =	vadd.s32 v20, v19  }
0x18a: {  	v36 =	vor.u32 s30, v9;
	v30 =	vld.idx.msk [tilespmem:v30+s18+$0x0], $0xffff;
	v19 =	vadd.s32 v25, v19  }
0x18b: {  	v20 =	vor.u32 s30, v8;
	v19 =	vadd.s32 v27, v19;
	v27 =	vld.idx.msk [tilespmem:v35+s18+$0x0], $0xffff  }
0x18c: {  	v62 =	vor.u32 s30, v10;
	v19 =	vadd.s32 v28, v19;
	v28 =	vld.idx.msk [tilespmem:v31+s18+$0x0], $0xffff  }
0x18d: {  	v31 =	vor.u32 s30, v11;
	v37 =	vld.idx.msk [tilespmem:v24+s18+$0x0], $0xffff;
	v19 =	vadd.s32 v29, v19  }
0x18e: {  	v63 =	vor.u32 s30, v12;
	v29 =	vld.idx.msk [tilespmem:v61+s18+$0x0], $0xffff;
	v19 =	vadd.s32 v21, v19  }
0x18f: {  	v38 =	vor.u32 s30, v13;
	v24 =	vld.idx.msk [tilespmem:v36+s18+$0x0], $0xffff;
	v19 =	vadd.s32 v22, v19  }
0x190: {  	v25 =	vld.idx.msk [tilespmem:v20+s18+$0x0], $0xffff;
	v20 =	vadd.s32 v23, v19;
	v19 =	vor.u32 s30, v14  }
0x191: {  	v22 =	vadd.s32 v26, v27;
	v26 =	vld.idx.msk [tilespmem:v62+s18+$0x0], $0xffff;
	v21 =	vadd.s32 v33, v20;
	v20 =	vor.u32 s30, v15  }
0x192: {  	v22 =	vadd.s32 v28, v22;
	v27 =	vld.idx.msk [tilespmem:v31+s18+$0x0], $0xffff;
	v23 =	vadd.s32 v34, v21;
	v21 =	vor.u32 s30, v16  }
0x193: {  	s28 =	simm.s32 $0x1C010;
	v28 =	vld.idx.msk [tilespmem:v63+s18+$0x0], $0xffff;
	v29 =	vadd.s32 v29, v22;
	v30 =	vadd.s32 v30, v23;
	v23 =	vor.u32 s30, v17  }
0x194: {  	s29 =	simm.s32 $0x0;
	v22 =	vor.u32 s30, v18;
	s30 =	simm.s32 $0x300;
	[tilespmem:s28+$0xFFFFFFF0] =	vst v30;
	v30 =	vadd.s32 v37, v29;
	v29 =	vld.idx.msk [tilespmem:v38+s18+$0x0], $0xffff  }
.LBB2_14:
0x195: {  	s31 =	sadd.s32 $0xFFFFFF00, s30;
	v31 =	vor.u32 s30, v3;
	v32 =	vor.u32 s30, v4;
	v33 =	vor.u32 s30, v5;
	v34 =	vld.idx.msk [tilespmem:v19+s18+$0x0], $0xffff  }
0x196: {  	v36 =	vor.u32 s30, v6;
	v37 =	vor.u32 s30, v7;
	s29 =	sadd.s32 $0x2, s29;
	v35 =	vor.u32 s31, v3;
	v38 =	vld.idx.msk [tilespmem:v20+s18+$0x0], $0xffff  }
0x197: {  	v40 =	vor.u32 s30, v8;
	v41 =	vor.u32 s30, v9;
	v39 =	vor.u32 s31, v4;
	p0 =	slt.u32 s29, $0x13E;
	v42 =	vld.idx.msk [tilespmem:v21+s18+$0x0], $0xffff  }
0x198: {  	v44 =	vor.u32 s30, v10;
	v45 =	vor.u32 s30, v11;
	v43 =	vor.u32 s31, v5;
	v46 =	vld.idx.msk [tilespmem:v23+s18+$0x0], $0xffff  }
0x199: {  	v48 =	vor.u32 s30, v12;
	v49 =	vor.u32 s30, v13;
	v47 =	vor.u32 s31, v6;
	v50 =	vld.idx.msk [tilespmem:v22+s18+$0x0], $0xffff  }
0x19a: {  	v19 =	vor.u32 s30, v14;
	v51 =	vor.u32 s31, v7;
	v21 =	vadd.s32 v25, v30;
	v31 =	vld.idx.msk [tilespmem:v31+s18+$0x0], $0xffff  }
0x19b: {  	v20 =	vor.u32 s30, v15;
	v30 =	vor.u32 s31, v8;
	v22 =	vadd.s32 v24, v21;
	v25 =	vld.idx.msk [tilespmem:v35+s18+$0x0], $0xffff  }
0x19c: {  	v21 =	vor.u32 s30, v16;
	v22 =	vadd.s32 v26, v22;
	v35 =	vor.u32 s31, v9;
	v24 =	vld.idx.msk [tilespmem:v39+s18+$0x0], $0xffff  }
0x19d: {  	v23 =	vor.u32 s30, v17;
	v27 =	vadd.s32 v27, v22;
	v39 =	vor.u32 s31, v10;
	v26 =	vld.idx.msk [tilespmem:v43+s18+$0x0], $0xffff  }
0x19e: {  	v22 =	vor.u32 s30, v18;
	v27 =	vadd.s32 v28, v27;
	v43 =	vld.idx.msk [tilespmem:v47+s18+$0x0], $0xffff;
	v47 =	vor.u32 s31, v11  }
0x19f: {  	v27 =	vadd.s32 v29, v27;
	v28 =	vld.idx.msk [tilespmem:v51+s18+$0x0], $0xffff;
	v51 =	vor.u32 s31, v12  }
0x1a0: {  	v27 =	vadd.s32 v34, v27;
	v29 =	vld.idx.msk [tilespmem:v30+s18+$0x0], $0xffff;
	v30 =	vor.u32 s31, v13  }
0x1a1: {  	v27 =	vadd.s32 v38, v27;
	v34 =	vld.idx.msk [tilespmem:v35+s18+$0x0], $0xffff;
	v35 =	vor.u32 s31, v14  }
0x1a2: {  	v38 =	vor.u32 s31, v15;
	v27 =	vadd.s32 v42, v27;
	v24 =	vadd.s32 v25, v24;
	v25 =	vld.idx.msk [tilespmem:v39+s18+$0x0], $0xffff  }
0x1a3: {  	v27 =	vadd.s32 v46, v27;
	v24 =	vadd.s32 v26, v24;
	v39 =	vor.u32 s31, v16;
	v26 =	vld.idx.msk [tilespmem:v47+s18+$0x0], $0xffff  }
0x1a4: {  	v27 =	vadd.s32 v50, v27;
	v24 =	vadd.s32 v43, v24;
	v43 =	vor.u32 s31, v17;
	v42 =	vld.idx.msk [tilespmem:v51+s18+$0x0], $0xffff  }
0x1a5: {  	v24 =	vadd.s32 v28, v24;
	v28 =	vld.idx.msk [tilespmem:v30+s18+$0x0], $0xffff;
	v30 =	vor.u32 s31, v18;
	[tilespmem:s28+$0x0] =	vst v27  }
0x1a6: {  	v24 =	vadd.s32 v29, v24;
	v27 =	vld.idx.msk [tilespmem:v35+s18+$0x0], $0xffff  }
0x1a7: {  	v24 =	vadd.s32 v34, v24;
	v29 =	vld.idx.msk [tilespmem:v38+s18+$0x0], $0xffff  }
0x1a8: {  	v24 =	vadd.s32 v25, v24;
	v25 =	vld.idx.msk [tilespmem:v39+s18+$0x0], $0xffff  }
0x1a9: {  	v24 =	vadd.s32 v26, v24;
	v26 =	vld.idx.msk [tilespmem:v43+s18+$0x0], $0xffff  }
0x1aa: {  	v24 =	vadd.s32 v42, v24;
	v30 =	vld.idx.msk [tilespmem:v30+s18+$0x0], $0xffff  }
0x1ab: {  	v24 =	vadd.s32 v28, v24;
	v28 =	vld.idx.msk [tilespmem:v32+s18+$0x0], $0xffff  }
0x1ac: {  	v24 =	vadd.s32 v27, v24;
	v27 =	vld.idx.msk [tilespmem:v33+s18+$0x0], $0xffff  }
0x1ad: {  	v24 =	vadd.s32 v29, v24;
	v29 =	vld.idx.msk [tilespmem:v36+s18+$0x0], $0xffff  }
0x1ae: {  	v24 =	vadd.s32 v25, v24;
	v32 =	vld.idx.msk [tilespmem:v37+s18+$0x0], $0xffff  }
0x1af: {  	v24 =	vadd.s32 v26, v24;
	v25 =	vld.idx.msk [tilespmem:v40+s18+$0x0], $0xffff  }
.Ltmp7:
0x1b0: {  	s28 =	sadd.s32 $0x20, s28;
	v26 =	vadd.s32 v30, v24;
	v24 =	vld.idx.msk [tilespmem:v41+s18+$0x0], $0xffff;
	(pc) =	sbr.rel @p0 .LBB2_14-.Ltmp7, $4  }
0x1b1: {  	v28 =	vadd.s32 v31, v28;
	[tilespmem:s28+$0xFFFFFFF0] =	vst v26;
	v26 =	vld.idx.msk [tilespmem:v44+s18+$0x0], $0xffff  }
0x1b2: {  	v28 =	vadd.s32 v27, v28;
	v27 =	vld.idx.msk [tilespmem:v45+s18+$0x0], $0xffff  }
0x1b3: {  	v29 =	vadd.s32 v29, v28;
	v28 =	vld.idx.msk [tilespmem:v48+s18+$0x0], $0xffff  }
0x1b4: {  	s30 =	sadd.s32 $0x200, s30;
	v30 =	vadd.s32 v32, v29;
	v29 =	vld.idx.msk [tilespmem:v49+s18+$0x0], $0xffff  }
0x1b5: {  	_ =	sdelay $0x2  }
0x1b6: {  	v25 =	vadd.s32 v25, v30  }
0x1b7: {  	v19 =	vld.idx.msk [tilespmem:v19+s18+$0x0], $0xffff;
	v24 =	vadd.s32 v24, v25  }
0x1b8: {  	v20 =	vld.idx.msk [tilespmem:v20+s18+$0x0], $0xffff;
	v24 =	vadd.s32 v26, v24  }
0x1b9: {  	v21 =	vld.idx.msk [tilespmem:v21+s18+$0x0], $0xffff;
	v24 =	vadd.s32 v27, v24  }
0x1ba: {  	v23 =	vld.idx.msk [tilespmem:v23+s18+$0x0], $0xffff;
	v24 =	vadd.s32 v28, v24  }
0x1bb: {  	v22 =	vld.idx.msk [tilespmem:v22+s18+$0x0], $0xffff;
	v24 =	vadd.s32 v29, v24  }
0x1bc: {  	v19 =	vadd.s32 v19, v24  }
0x1bd: {  	v19 =	vadd.s32 v20, v19  }
0x1be: {  	v19 =	vadd.s32 v21, v19  }
0x1bf: {  	s26 =	sadd.s32 $0x1, s26;
	v19 =	vadd.s32 v23, v19  }
0x1c0: {  	p0 =	sne.s32 s26, s13;
	v19 =	vadd.s32 v22, v19  }
.Ltmp8:
0x1c1: {  	[tilespmem:s28+$0x0] =	vst v19;
	(pc) =	sbr.rel @p0 .LBB2_1-.Ltmp8, $4  }
0x1c2: {  	[hbm4b:s12+s22] =	stream.strided.scatter [tilespmem:s24], [sflag:$0x5], $0x1400, s23, s22, $0x38;
	[tilespmem:$0x1D400] =	vst v63  }
0x1c3: {  	_ =	swait.ge [sflag:s25], $0x1400  }
0x1c4: {  	[sflag:s25] =	ssyncset.done $0x0  }
0x1c5: {  	[sflag:s25] =	ssyncadd.s32 $0xFFFFEC00  }
0x1c6: {  	_ =	sfence.sel $0x180000  }
0x1c7: {  	[bflag:$0x0] =	sbarrier.arrive $0xFFFF  }
0x1c8: {  	_ =	strace $0x90000047  }
0x1c9: {  	[bflag:$0x2] =	sbarrier.arrive $0xFFFF  }
0x1ca: {  	p0 =	sne.s32 s3, $0x0;
	s0 =	rddreg [dreg:$0x2]  }
0x1cb: {  	s0 =	sadd.s32 @!p0 $0x100000, s0  }
0x1cc: {  	[sflag:s0] =	ssyncadd.tile.s32 @!p0 $0x1;
	_ =	shalt  }
.Lfunc_end2:
_tile_overlayer_lowered:
.L_overlay_start_2:
0x1cd: {  	(tag) =	ssettag $0x2  }
0x1ce: {  	s0 =	rddreg [dreg:$0x0];
	s2 =	stileid.u32  }
0x1cf: {  	s1 =	rddreg [dreg:$0x1];
	p0 =	sne.s32 s2, $0x0  }
0x1d0: {  	s3 =	rddreg [dreg:$0x2];
	[bflag:$0x3] =	sbarrier.arrive $0xFFFF;
	s2 =	simm.s32 @!p0 $0x1C05  }
0x1d1: {  	[timem:s3], [sflag:s2] =	dma.local @!p0 [hbm:s0], s1  }
0x1d2: {  	s0 =	simm.s32 @!p0 $0x5  }
0x1d3: {  	_ =	swait.ge @!p0 [sflag:s0], s1  }
0x1d4: {  	s1 =	ssub.s32 @!p0 $0x0, s1;
	[sflag:s0] =	ssyncset.done @!p0 $0x0  }
0x1d5: {  	[sflag:s0] =	ssyncadd.s32 @!p0 s1  }
0x1d6: {  	[bflag:$0x3] =	sbarrier.arrive $0xFFFF  }
0x1d7: {  	_ =	shalt  }

</sc_bundles>
